<compile_context>
chip_gen: v7x
topology: tpu7x:2x2x1
jax: 0.10.2.dev20260603
libtpu: 0.0.44.dev20260713+nightly
codegen_flags: <defaults>
</compile_context>

<pallas_src>
import functools

import jax
import jax.numpy as jnp
from jax import lax
from jax.experimental import pallas as pl
from jax.experimental.pallas import tpu as pltpu
from jax.experimental.pallas import tpu_sc as plsc

N = 10000
E = 320000
F = 128
G = 64
NC = 2
NS = 16
NW = NC * NS
EPW = E // NW
CH = 80
NCHUNK = EPW // CH
SLAB = 624
REM = N - NS * SLAB
BLK = 1000
GRID = N // BLK

_mesh = plsc.VectorSubcoreMesh(core_axis_name="c", subcore_axis_name="s")



@functools.partial(
    pl.kernel,
    out_type=jax.ShapeDtypeStruct((NW, N), jnp.float32),
    mesh=_mesh,
    scratch_types=[
        pltpu.VMEM((EPW,), jnp.int32),
        pltpu.VMEM((N,), jnp.float32),
    ],
    compiler_params=pltpu.CompilerParams(needs_layout_passes=False),
)
def _sc_deg(dst_hbm, deg_out, dst_v, deg_v):
    c = lax.axis_index("c")
    s = lax.axis_index("s")
    wid = s * NC + c

    def zero_row(i, carry):
        deg_v[pl.ds(i * 16, 16)] = jnp.zeros((16,), jnp.float32)
        return carry

    lax.fori_loop(0, N // 16, zero_row, 0)

    pltpu.sync_copy(dst_hbm.at[wid], dst_v)
    ones = jnp.ones((16,), jnp.float32)

    def body(j, carry):
        idx = dst_v[pl.ds(j * 16, 16)]
        plsc.addupdate_scatter(deg_v, [idx], ones)
        return carry

    lax.fori_loop(0, EPW // 16, body, 0)
    pltpu.sync_copy(deg_v, deg_out.at[wid])


@functools.partial(
    pl.kernel,
    out_type=jax.ShapeDtypeStruct((NC, N, F), jnp.float32),
    mesh=_mesh,
    scratch_types=[
        pltpu.VMEM((NCHUNK, CH), jnp.int32),
        pltpu.VMEM((NCHUNK, CH), jnp.int32),
        pltpu.VMEM((CH, F), jnp.float32),
        pltpu.SemaphoreType.DMA,
        pltpu.VMEM_SHARED((N, F), jnp.float32),
    ],
    compiler_params=pltpu.CompilerParams(needs_layout_passes=False),
)
def _sc_agg(h_hbm, src_hbm, dst_hbm, zero_hbm, p_out, src_v, dst_v, rows_v,
            sem, acc):
    c = lax.axis_index("c")
    s = lax.axis_index("s")
    wid = s * NC + c

    pltpu.sync_copy(zero_hbm.at[pl.ds(0, SLAB)], acc.at[pl.ds(s * SLAB, SLAB)])

    @pl.when(s == 0)
    def _():
        pltpu.sync_copy(zero_hbm.at[pl.ds(0, REM)],
                        acc.at[pl.ds(NS * SLAB, REM)])

    pltpu.sync_copy(src_hbm.at[wid], src_v)
    pltpu.sync_copy(dst_hbm.at[wid], dst_v)
    plsc.subcore_barrier()

    def body(j, carry):
        pltpu.async_copy(h_hbm.at[src_v.at[j]], rows_v, sem).wait()
        pltpu.sync_copy(rows_v, acc.at[dst_v.at[j]], add=True)
        return carry

    lax.fori_loop(0, NCHUNK, body, 0)

    plsc.subcore_barrier()
    pltpu.sync_copy(acc.at[pl.ds(s * SLAB, SLAB)],
                    p_out.at[c, pl.ds(s * SLAB, SLAB)])

    @pl.when(s == 0)
    def _():
        pltpu.sync_copy(acc.at[pl.ds(NS * SLAB, REM)],
                        p_out.at[c, pl.ds(NS * SLAB, REM)])



def _tc0_body(degp_ref, x_ref, w_ref, dinv_ref, hw_ref):
    deg = jnp.sum(degp_ref[0], axis=0) + 1.0
    dinv = lax.rsqrt(deg)
    h = jnp.dot(x_ref[...], w_ref[...], preferred_element_type=jnp.float32)
    hw_ref[...] = h * dinv[:, None]
    dinv_ref[...] = dinv[:, None]


def _tc_mid_body(p_ref, hwp_ref, dinv_ref, b_ref, w_ref, out_ref):
    dinv = dinv_ref[...]
    tot = p_ref[0] + p_ref[1] + hwp_ref[...]
    a = jnp.maximum(tot * dinv + b_ref[...], 0.0)
    out_ref[...] = jnp.dot(
        a, w_ref[...], preferred_element_type=jnp.float32) * dinv


def _tc_pool_body(p_ref, hwp_ref, dinv_ref, b_ref, batch_ref, psum_ref,
                  cnt_ref):
    j = pl.program_id(0)
    tot = p_ref[0] + p_ref[1] + hwp_ref[...]
    h3 = jnp.maximum(tot * dinv_ref[...] + b_ref[...], 0.0)
    bt = batch_ref[0, 0]
    ind = (bt[None, :] == lax.broadcasted_iota(jnp.int32, (G, BLK), 0)
           ).astype(jnp.float32)
    ps = jnp.dot(ind, h3, preferred_element_type=jnp.float32)
    cs = jnp.sum(ind, axis=1, keepdims=True)

    @pl.when(j == 0)
    def _():
        psum_ref[...] = ps
        cnt_ref[...] = cs

    @pl.when(j > 0)
    def _():
        psum_ref[...] += ps
        cnt_ref[...] += cs


def _tc_fin_body(ps_ref, cnt_ref, w1_ref, b1_ref, w2_ref, b2_ref, out_ref):
    pooled = ps_ref[...] / jnp.maximum(cnt_ref[...], 1.0)
    r = jnp.maximum(
        jnp.dot(pooled, w1_ref[...], preferred_element_type=jnp.float32)
        + b1_ref[...], 0.0)
    out_ref[...] = jnp.dot(
        r, w2_ref[...], preferred_element_type=jnp.float32) + b2_ref[...]


def _tc0(deg_p, x, W1):
    return pl.pallas_call(
        _tc0_body,
        grid=(GRID,),
        in_specs=[
            pl.BlockSpec((1, NW, BLK), lambda j: (j, 0, 0)),
            pl.BlockSpec((BLK, F), lambda j: (j, 0)),
            pl.BlockSpec((F, F), lambda j: (0, 0)),
        ],
        out_specs=[
            pl.BlockSpec((BLK, 1), lambda j: (j, 0)),
            pl.BlockSpec((BLK, F), lambda j: (j, 0)),
        ],
        out_shape=[
            jax.ShapeDtypeStruct((N, 1), jnp.float32),
            jax.ShapeDtypeStruct((N, F), jnp.float32),
        ],
    )(deg_p, x, W1)


def _tc_mid(p, hwp, dinv, b, Wn):
    return pl.pallas_call(
        _tc_mid_body,
        grid=(GRID,),
        in_specs=[
            pl.BlockSpec((NC, BLK, F), lambda j: (0, j, 0)),
            pl.BlockSpec((BLK, F), lambda j: (j, 0)),
            pl.BlockSpec((BLK, 1), lambda j: (j, 0)),
            pl.BlockSpec((1, F), lambda j: (0, 0)),
            pl.BlockSpec((F, F), lambda j: (0, 0)),
        ],
        out_specs=pl.BlockSpec((BLK, F), lambda j: (j, 0)),
        out_shape=jax.ShapeDtypeStruct((N, F), jnp.float32),
    )(p, hwp, dinv, b.reshape(1, F), Wn)


def _tc_pool(p, hwp, dinv, b, batch2):
    return pl.pallas_call(
        _tc_pool_body,
        grid=(GRID,),
        in_specs=[
            pl.BlockSpec((NC, BLK, F), lambda j: (0, j, 0)),
            pl.BlockSpec((BLK, F), lambda j: (j, 0)),
            pl.BlockSpec((BLK, 1), lambda j: (j, 0)),
            pl.BlockSpec((1, F), lambda j: (0, 0)),
            pl.BlockSpec((1, 1, BLK), lambda j: (j, 0, 0)),
        ],
        out_specs=[
            pl.BlockSpec((G, F), lambda j: (0, 0)),
            pl.BlockSpec((G, 1), lambda j: (0, 0)),
        ],
        out_shape=[
            jax.ShapeDtypeStruct((G, F), jnp.float32),
            jax.ShapeDtypeStruct((G, 1), jnp.float32),
        ],
    )(p, hwp, dinv, b.reshape(1, F), batch2)


def _tc_fin(psum, cnt, fcW1, fcb1, fcW2, fcb2):
    return pl.pallas_call(
        _tc_fin_body,
        in_specs=[
            pl.BlockSpec((G, F), lambda: (0, 0)),
            pl.BlockSpec((G, 1), lambda: (0, 0)),
            pl.BlockSpec((F, 32), lambda: (0, 0)),
            pl.BlockSpec((1, 32), lambda: (0, 0)),
            pl.BlockSpec((32, 1), lambda: (0, 0)),
            pl.BlockSpec((1, 1), lambda: (0, 0)),
        ],
        out_specs=pl.BlockSpec((G, 1), lambda: (0, 0)),
        out_shape=jax.ShapeDtypeStruct((G, 1), jnp.float32),
    )(psum, cnt, fcW1, fcb1.reshape(1, 32), fcW2, fcb2.reshape(1, 1))



def kernel(x, edge_index, edge_attr, batch, W1, b1, W2, b2, W3, b3,
           fcW1, fcb1, fcW2, fcb2):
    src_r = edge_index[0].reshape(NW, NCHUNK, CH)
    dst_r = edge_index[1].reshape(NW, NCHUNK, CH)
    dst_flat = edge_index[1].reshape(NW, EPW)
    zero_slab = jnp.zeros((SLAB, F), jnp.float32)

    deg_p = _sc_deg(dst_flat)
    deg_pt = deg_p.reshape(NW, GRID, BLK).transpose(1, 0, 2)
    dinv, hw1 = _tc0(deg_pt, x, W1)

    p1 = _sc_agg(hw1, src_r, dst_r, zero_slab)
    hw2 = _tc_mid(p1, hw1, dinv, b1, W2)

    p2 = _sc_agg(hw2, src_r, dst_r, zero_slab)
    hw3 = _tc_mid(p2, hw2, dinv, b2, W3)

    p3 = _sc_agg(hw3, src_r, dst_r, zero_slab)
    psum, cnt = _tc_pool(p3, hw3, dinv, b3, batch.reshape(GRID, 1, BLK))

    return _tc_fin(psum, cnt, fcW1, fcb1, fcW2, fcb2)

# --- scband reference (transcript-rebuilt; emitter-appended) ---
"""Pipeline reference for scband-route-gnn-25357486916017 (READ-ONLY COPY).

The authoritative reference and input builder live on the scoring server;
editing this copy changes nothing except your own understanding.
"""

import jax, jax.numpy as jnp
import numpy as np

N_NODES = 10000
N_EDGES = 320000
F_IN = 128
HID = 128
NUM_GRAPHS = 64


def gcn_conv(x, src, dst, W, b, n):
    # PyG GCNConv: linear transform, then symmetric-normalized scatter-add aggregation
    h = x @ W
    ones = jnp.ones((src.shape[0],), x.dtype)
    deg = jnp.zeros((n,), x.dtype).at[dst].add(ones)
    dinv = jnp.where(deg > 0, 1.0 / jnp.sqrt(deg), 0.0)
    norm = dinv[src] * dinv[dst]
    msgs = h[src] * norm[:, None]
    out = jnp.zeros((n, h.shape[1]), h.dtype).at[dst].add(msgs)
    return out + b


def setup_inputs(seed: int = 0):
    key = jax.random.key(seed)
    ks = jax.random.split(key, 14)
    x = jax.random.normal(ks[0], (N_NODES, F_IN), jnp.float32)
    edge_index = jax.random.randint(ks[1], (2, N_EDGES), 0, N_NODES, jnp.int32)
    edge_attr = jax.random.normal(ks[2], (N_EDGES, 16), jnp.float32)
    batch = jnp.sort(jax.random.randint(ks[3], (N_NODES,), 0, NUM_GRAPHS, jnp.int32))
    s = lambda k, shp, fan: jax.random.normal(k, shp, jnp.float32) / np.sqrt(fan)
    return {
        "x": x,
        "edge_index": edge_index,
        "edge_attr": edge_attr,
        "batch": batch,
        "W1": s(ks[4], (F_IN, HID), F_IN), "b1": jnp.zeros((HID,), jnp.float32),
        "W2": s(ks[5], (HID, HID), HID), "b2": jnp.zeros((HID,), jnp.float32),
        "W3": s(ks[6], (HID, HID), HID), "b3": jnp.zeros((HID,), jnp.float32),
        "fcW1": s(ks[7], (HID, 32), HID), "fcb1": jnp.zeros((32,), jnp.float32),
        "fcW2": s(ks[8], (32, 1), 32), "fcb2": jnp.zeros((1,), jnp.float32),
    }


def reference(x, edge_index, edge_attr, batch, W1, b1, W2, b2, W3, b3, fcW1, fcb1, fcW2, fcb2):
    n = x.shape[0]
    # add self-loops (GCNConv default)
    loop = jnp.arange(n, dtype=edge_index.dtype)
    src = jnp.concatenate([edge_index[0], loop])
    dst = jnp.concatenate([edge_index[1], loop])

    h = gcn_conv(x, src, dst, W1, b1, n)
    h = jax.nn.relu(h)
    # dropout is identity in eval mode
    h = gcn_conv(h, src, dst, W2, b2, n)
    h = jax.nn.relu(h)
    h = gcn_conv(h, src, dst, W3, b3, n)
    h = jax.nn.relu(h)

    # global mean pool over batch segment ids
    sums = jnp.zeros((NUM_GRAPHS, h.shape[1]), h.dtype).at[batch].add(h)
    counts = jnp.zeros((NUM_GRAPHS,), h.dtype).at[batch].add(1.0)
    pooled = sums / jnp.maximum(counts, 1.0)[:, None]

    out = jax.nn.relu(pooled @ fcW1 + fcb1)
    out = out @ fcW2 + fcb2
    return out

if __name__ == "__main__":
    import jax
    _d = setup_inputs()
    print(jax.jit(kernel)(*tuple(_d.values())))

</pallas_src>

<mosaic_0001>
#map = affine_map<(d0, d1) -> (0, 0)>
#map1 = affine_map<(d0, d1) -> (0, 0, 0)>
module attributes {stable_mosaic.version = 14 : i64} {
  func.func @_sc_agg(%arg0: i32, %arg1: i32, %arg2: memref<10000x128xf32, #tpu.memory_space<hbm>>, %arg3: memref<32x125x80xi32, #tpu.memory_space<hbm>>, %arg4: memref<32x125x80xi32, #tpu.memory_space<hbm>>, %arg5: memref<624x128xf32, #tpu.memory_space<hbm>>, %arg6: memref<2x10000x128xf32, #tpu.memory_space<hbm>>, %arg7: memref<125x80xi32, #tpu.memory_space<vmem>>, %arg8: memref<125x80xi32, #tpu.memory_space<vmem>>, %arg9: memref<80x128xf32, #tpu.memory_space<vmem>>, %arg10: memref<!tpu.dma_semaphore, #tpu.memory_space<semaphore_mem>>, %arg11: memref<10000x128xf32, #tpu.memory_space<vmem_shared>>) attributes {dimension_semantics = [#tpu.dimension_semantics<core_parallel>, #tpu.dimension_semantics<subcore_parallel>], iteration_bounds = array<i64: 2, 16>, scalar_prefetch = 0 : i64, scratch_operands = 5 : i64, tpu.core_type = #tpu.core_type<sc_vector_subcore>, window_params = [{transform_indices = #map}, {transform_indices = #map1}, {transform_indices = #map1}, {transform_indices = #map}, {transform_indices = #map1}]} {
    %mul3A = arith.constant 2 : i32
    %mul3A_0 = arith.muli %arg1, %mul3A : i32
    %add3A = arith.addi %mul3A_0, %arg0 : i32
    %mul3A_1 = arith.constant 624 : i32
    %mul3A_2 = arith.muli %arg1, %mul3A_1 : i32
    "tpu.region"() ({
      %run_scoped3A = tpu.sem_alloc : memref<!tpu.dma_semaphore, #tpu.memory_space<semaphore_mem>>
      %dma_start3A = arith.constant 0 : i32
      %dma_start3A_20 = tpu.memref_slice %arg11[%mul3A_2, %dma_start3A] : memref<10000x128xf32, #tpu.memory_space<vmem_shared>> -> memref<624x128xf32, #tpu.memory_space<vmem_shared>>
      %dma_start3A_21 = arith.constant 0 : i32
      %dma_start3A_22 = arith.constant 0 : i32
      %dma_start3A_23 = tpu.memref_slice %arg5[%dma_start3A_21, %dma_start3A_22] : memref<624x128xf32, #tpu.memory_space<hbm>> -> memref<624x128xf32, #tpu.memory_space<hbm>>
      tpu.enqueue_dma source(%dma_start3A_23 : memref<624x128xf32, #tpu.memory_space<hbm>>) target(%dma_start3A_20 : memref<624x128xf32, #tpu.memory_space<vmem_shared>>) target_semaphore(%run_scoped3A : memref<!tpu.dma_semaphore, #tpu.memory_space<semaphore_mem>>)
      %dma_wait3A = arith.constant 0 : i32
      %dma_wait3A_24 = tpu.memref_slice %arg11[%mul3A_2, %dma_wait3A] : memref<10000x128xf32, #tpu.memory_space<vmem_shared>> -> memref<624x128xf32, #tpu.memory_space<vmem_shared>>
      %dma_wait3A_25 = arith.constant 0 : i32
      %dma_wait3A_26 = arith.constant 0 : i32
      %dma_wait3A_27 = tpu.memref_slice %arg5[%dma_wait3A_25, %dma_wait3A_26] : memref<624x128xf32, #tpu.memory_space<hbm>> -> memref<624x128xf32, #tpu.memory_space<hbm>>
      tpu.wait_dma2 semaphore(%run_scoped3A : memref<!tpu.dma_semaphore, #tpu.memory_space<semaphore_mem>>) src(%dma_wait3A_27 : memref<624x128xf32, #tpu.memory_space<hbm>>) dst(%dma_wait3A_24 : memref<624x128xf32, #tpu.memory_space<vmem_shared>>)
      tpu.yield
    }) : () -> ()
    %eq3A = arith.constant 0 : i32
    %eq3A_3 = arith.cmpi eq, %arg1, %eq3A : i32
    %convert_element_type3A = arith.extui %eq3A_3 : i1 to i32
    %cond3A = arith.constant 0 : i32
    %cond3A_4 = arith.cmpi ne, %convert_element_type3A, %cond3A : i32
    scf.if %cond3A_4 {
      "tpu.region"() ({
        %run_scoped3A = tpu.sem_alloc : memref<!tpu.dma_semaphore, #tpu.memory_space<semaphore_mem>>
        %dma_start3A = arith.constant 9984 : i32
        %dma_start3A_20 = arith.constant 0 : i32
        %dma_start3A_21 = tpu.memref_slice %arg11[%dma_start3A, %dma_start3A_20] : memref<10000x128xf32, #tpu.memory_space<vmem_shared>> -> memref<16x128xf32, #tpu.memory_space<vmem_shared>>
        %dma_start3A_22 = arith.constant 0 : i32
        %dma_start3A_23 = arith.constant 0 : i32
        %dma_start3A_24 = tpu.memref_slice %arg5[%dma_start3A_22, %dma_start3A_23] : memref<624x128xf32, #tpu.memory_space<hbm>> -> memref<16x128xf32, #tpu.memory_space<hbm>>
        tpu.enqueue_dma source(%dma_start3A_24 : memref<16x128xf32, #tpu.memory_space<hbm>>) target(%dma_start3A_21 : memref<16x128xf32, #tpu.memory_space<vmem_shared>>) target_semaphore(%run_scoped3A : memref<!tpu.dma_semaphore, #tpu.memory_space<semaphore_mem>>)
        %dma_wait3A = arith.constant 9984 : i32
        %dma_wait3A_25 = arith.constant 0 : i32
        %dma_wait3A_26 = tpu.memref_slice %arg11[%dma_wait3A, %dma_wait3A_25] : memref<10000x128xf32, #tpu.memory_space<vmem_shared>> -> memref<16x128xf32, #tpu.memory_space<vmem_shared>>
        %dma_wait3A_27 = arith.constant 0 : i32
        %dma_wait3A_28 = arith.constant 0 : i32
        %dma_wait3A_29 = tpu.memref_slice %arg5[%dma_wait3A_27, %dma_wait3A_28] : memref<624x128xf32, #tpu.memory_space<hbm>> -> memref<16x128xf32, #tpu.memory_space<hbm>>
        tpu.wait_dma2 semaphore(%run_scoped3A : memref<!tpu.dma_semaphore, #tpu.memory_space<semaphore_mem>>) src(%dma_wait3A_29 : memref<16x128xf32, #tpu.memory_space<hbm>>) dst(%dma_wait3A_26 : memref<16x128xf32, #tpu.memory_space<vmem_shared>>)
        tpu.yield
      }) : () -> ()
    } else {
    }
    "tpu.region"() ({
      %run_scoped3A = tpu.sem_alloc : memref<!tpu.dma_semaphore, #tpu.memory_space<semaphore_mem>>
      %dma_start3A = arith.constant 0 : i32
      %dma_start3A_20 = arith.constant 0 : i32
      %dma_start3A_21 = tpu.memref_slice %arg3[%add3A, %dma_start3A, %dma_start3A_20] : memref<32x125x80xi32, #tpu.memory_space<hbm>> -> memref<1x125x80xi32, #tpu.memory_space<hbm>>
      %dma_start3A_22 = tpu.memref_squeeze %dma_start3A_21 : memref<1x125x80xi32, #tpu.memory_space<hbm>> -> memref<125x80xi32, #tpu.memory_space<hbm>>
      %dma_start3A_23 = arith.constant 0 : i32
      %dma_start3A_24 = arith.constant 0 : i32
      %dma_start3A_25 = tpu.memref_slice %arg3[%add3A, %dma_start3A_23, %dma_start3A_24] : memref<32x125x80xi32, #tpu.memory_space<hbm>> -> memref<1x125x80xi32, #tpu.memory_space<hbm>>
      %dma_start3A_26 = tpu.memref_squeeze %dma_start3A_25 : memref<1x125x80xi32, #tpu.memory_space<hbm>> -> memref<125x80xi32, #tpu.memory_space<hbm>>
      tpu.enqueue_dma source(%dma_start3A_26 : memref<125x80xi32, #tpu.memory_space<hbm>>) target(%arg7 : memref<125x80xi32, #tpu.memory_space<vmem>>) target_semaphore(%run_scoped3A : memref<!tpu.dma_semaphore, #tpu.memory_space<semaphore_mem>>)
      %dma_wait3A = arith.constant 0 : i32
      %dma_wait3A_27 = arith.constant 0 : i32
      %dma_wait3A_28 = tpu.memref_slice %arg3[%add3A, %dma_wait3A, %dma_wait3A_27] : memref<32x125x80xi32, #tpu.memory_space<hbm>> -> memref<1x125x80xi32, #tpu.memory_space<hbm>>
      %dma_wait3A_29 = tpu.memref_squeeze %dma_wait3A_28 : memref<1x125x80xi32, #tpu.memory_space<hbm>> -> memref<125x80xi32, #tpu.memory_space<hbm>>
      %dma_wait3A_30 = arith.constant 0 : i32
      %dma_wait3A_31 = arith.constant 0 : i32
      %dma_wait3A_32 = tpu.memref_slice %arg3[%add3A, %dma_wait3A_30, %dma_wait3A_31] : memref<32x125x80xi32, #tpu.memory_space<hbm>> -> memref<1x125x80xi32, #tpu.memory_space<hbm>>
      %dma_wait3A_33 = tpu.memref_squeeze %dma_wait3A_32 : memref<1x125x80xi32, #tpu.memory_space<hbm>> -> memref<125x80xi32, #tpu.memory_space<hbm>>
      tpu.wait_dma2 semaphore(%run_scoped3A : memref<!tpu.dma_semaphore, #tpu.memory_space<semaphore_mem>>) src(%dma_wait3A_33 : memref<125x80xi32, #tpu.memory_space<hbm>>) dst(%arg7 : memref<125x80xi32, #tpu.memory_space<vmem>>)
      tpu.yield
    }) : () -> ()
    "tpu.region"() ({
      %run_scoped3A = tpu.sem_alloc : memref<!tpu.dma_semaphore, #tpu.memory_space<semaphore_mem>>
      %dma_start3A = arith.constant 0 : i32
      %dma_start3A_20 = arith.constant 0 : i32
      %dma_start3A_21 = tpu.memref_slice %arg4[%add3A, %dma_start3A, %dma_start3A_20] : memref<32x125x80xi32, #tpu.memory_space<hbm>> -> memref<1x125x80xi32, #tpu.memory_space<hbm>>
      %dma_start3A_22 = tpu.memref_squeeze %dma_start3A_21 : memref<1x125x80xi32, #tpu.memory_space<hbm>> -> memref<125x80xi32, #tpu.memory_space<hbm>>
      %dma_start3A_23 = arith.constant 0 : i32
      %dma_start3A_24 = arith.constant 0 : i32
      %dma_start3A_25 = tpu.memref_slice %arg4[%add3A, %dma_start3A_23, %dma_start3A_24] : memref<32x125x80xi32, #tpu.memory_space<hbm>> -> memref<1x125x80xi32, #tpu.memory_space<hbm>>
      %dma_start3A_26 = tpu.memref_squeeze %dma_start3A_25 : memref<1x125x80xi32, #tpu.memory_space<hbm>> -> memref<125x80xi32, #tpu.memory_space<hbm>>
      tpu.enqueue_dma source(%dma_start3A_26 : memref<125x80xi32, #tpu.memory_space<hbm>>) target(%arg8 : memref<125x80xi32, #tpu.memory_space<vmem>>) target_semaphore(%run_scoped3A : memref<!tpu.dma_semaphore, #tpu.memory_space<semaphore_mem>>)
      %dma_wait3A = arith.constant 0 : i32
      %dma_wait3A_27 = arith.constant 0 : i32
      %dma_wait3A_28 = tpu.memref_slice %arg4[%add3A, %dma_wait3A, %dma_wait3A_27] : memref<32x125x80xi32, #tpu.memory_space<hbm>> -> memref<1x125x80xi32, #tpu.memory_space<hbm>>
      %dma_wait3A_29 = tpu.memref_squeeze %dma_wait3A_28 : memref<1x125x80xi32, #tpu.memory_space<hbm>> -> memref<125x80xi32, #tpu.memory_space<hbm>>
      %dma_wait3A_30 = arith.constant 0 : i32
      %dma_wait3A_31 = arith.constant 0 : i32
      %dma_wait3A_32 = tpu.memref_slice %arg4[%add3A, %dma_wait3A_30, %dma_wait3A_31] : memref<32x125x80xi32, #tpu.memory_space<hbm>> -> memref<1x125x80xi32, #tpu.memory_space<hbm>>
      %dma_wait3A_33 = tpu.memref_squeeze %dma_wait3A_32 : memref<1x125x80xi32, #tpu.memory_space<hbm>> -> memref<125x80xi32, #tpu.memory_space<hbm>>
      tpu.wait_dma2 semaphore(%run_scoped3A : memref<!tpu.dma_semaphore, #tpu.memory_space<semaphore_mem>>) src(%dma_wait3A_33 : memref<125x80xi32, #tpu.memory_space<hbm>>) dst(%arg8 : memref<125x80xi32, #tpu.memory_space<vmem>>)
      tpu.yield
    }) : () -> ()
    %barrier3A = arith.constant 0 : index
    tpu.barrier barrier_id(%barrier3A)
    %scan3A = arith.constant 0 : i32
    %scan3A_5 = arith.constant 0 : i32
    %scan3A_6 = arith.constant 125 : i32
    %scan3A_7 = arith.addi %scan3A_5, %scan3A_6 : i32
    %scan3A_8 = arith.constant 1 : i32
    scf.for %scan3A_20 = %scan3A_5 to %scan3A_7 step %scan3A_8  : i32 {
      %dma_start3A = arith.constant 0 : i32
      %dma_start3A_21 = tpu.memref_slice %arg7[%scan3A_20, %dma_start3A] : memref<125x80xi32, #tpu.memory_space<vmem>> -> memref<1x80xi32, #tpu.memory_space<vmem>>
      %dma_start3A_22 = tpu.memref_squeeze %dma_start3A_21 : memref<1x80xi32, #tpu.memory_space<vmem>> -> memref<80xi32, #tpu.memory_space<vmem>>
      %dma_start3A_23 = arith.constant 0 : i32
      %dma_start3A_24 = arith.constant 0 : i32
      %dma_start3A_25 = tpu.memref_slice %arg2[%dma_start3A_23, %dma_start3A_24] : memref<10000x128xf32, #tpu.memory_space<hbm>> -> memref<10000x128xf32, #tpu.memory_space<hbm>>
      tpu.enqueue_indirect_dma source(%dma_start3A_25 : memref<10000x128xf32, #tpu.memory_space<hbm>>) target(%arg9 : memref<80x128xf32, #tpu.memory_space<vmem>>) offsets(%dma_start3A_22 : memref<80xi32, #tpu.memory_space<vmem>>) semaphore(%arg10 : memref<!tpu.dma_semaphore, #tpu.memory_space<semaphore_mem>>)
      %dma_wait3A = arith.constant 0 : i32
      %dma_wait3A_26 = tpu.memref_slice %arg7[%scan3A_20, %dma_wait3A] : memref<125x80xi32, #tpu.memory_space<vmem>> -> memref<1x80xi32, #tpu.memory_space<vmem>>
      %dma_wait3A_27 = tpu.memref_squeeze %dma_wait3A_26 : memref<1x80xi32, #tpu.memory_space<vmem>> -> memref<80xi32, #tpu.memory_space<vmem>>
      %dma_wait3A_28 = arith.constant 0 : i32
      %dma_wait3A_29 = arith.constant 0 : i32
      %dma_wait3A_30 = tpu.memref_slice %arg2[%dma_wait3A_28, %dma_wait3A_29] : memref<10000x128xf32, #tpu.memory_space<hbm>> -> memref<10000x128xf32, #tpu.memory_space<hbm>>
      tpu.wait_indirect_dma semaphore(%arg10 : memref<!tpu.dma_semaphore, #tpu.memory_space<semaphore_mem>>) src(%dma_wait3A_30 : memref<10000x128xf32, #tpu.memory_space<hbm>>) dst(%arg9 : memref<80x128xf32, #tpu.memory_space<vmem>>)
      "tpu.region"() ({
        %run_scoped3A = tpu.sem_alloc : memref<!tpu.dma_semaphore, #tpu.memory_space<semaphore_mem>>
        %dma_start3A_31 = arith.constant 0 : i32
        %dma_start3A_32 = tpu.memref_slice %arg8[%scan3A_20, %dma_start3A_31] : memref<125x80xi32, #tpu.memory_space<vmem>> -> memref<1x80xi32, #tpu.memory_space<vmem>>
        %dma_start3A_33 = tpu.memref_squeeze %dma_start3A_32 : memref<1x80xi32, #tpu.memory_space<vmem>> -> memref<80xi32, #tpu.memory_space<vmem>>
        %dma_start3A_34 = arith.constant 0 : i32
        %dma_start3A_35 = arith.constant 0 : i32
        %dma_start3A_36 = tpu.memref_slice %arg11[%dma_start3A_34, %dma_start3A_35] : memref<10000x128xf32, #tpu.memory_space<vmem_shared>> -> memref<10000x128xf32, #tpu.memory_space<vmem_shared>>
        tpu.enqueue_indirect_dma source(%arg9 : memref<80x128xf32, #tpu.memory_space<vmem>>) target(%dma_start3A_36 : memref<10000x128xf32, #tpu.memory_space<vmem_shared>>) offsets(%dma_start3A_33 : memref<80xi32, #tpu.memory_space<vmem>>) semaphore(%run_scoped3A : memref<!tpu.dma_semaphore, #tpu.memory_space<semaphore_mem>>) {add = true}
        %dma_wait3A_37 = arith.constant 0 : i32
        %dma_wait3A_38 = tpu.memref_slice %arg8[%scan3A_20, %dma_wait3A_37] : memref<125x80xi32, #tpu.memory_space<vmem>> -> memref<1x80xi32, #tpu.memory_space<vmem>>
        %dma_wait3A_39 = tpu.memref_squeeze %dma_wait3A_38 : memref<1x80xi32, #tpu.memory_space<vmem>> -> memref<80xi32, #tpu.memory_space<vmem>>
        %dma_wait3A_40 = arith.constant 0 : i32
        %dma_wait3A_41 = arith.constant 0 : i32
        %dma_wait3A_42 = tpu.memref_slice %arg11[%dma_wait3A_40, %dma_wait3A_41] : memref<10000x128xf32, #tpu.memory_space<vmem_shared>> -> memref<10000x128xf32, #tpu.memory_space<vmem_shared>>
        tpu.wait_indirect_dma semaphore(%run_scoped3A : memref<!tpu.dma_semaphore, #tpu.memory_space<semaphore_mem>>) src(%arg9 : memref<80x128xf32, #tpu.memory_space<vmem>>) dst(%dma_wait3A_42 : memref<10000x128xf32, #tpu.memory_space<vmem_shared>>)
        tpu.yield
      }) : () -> ()
    }
    %scan3A_9 = arith.constant 125 : i32
    %barrier3A_10 = arith.constant 0 : index
    tpu.barrier barrier_id(%barrier3A_10)
    %mul3A_11 = arith.constant 624 : i32
    %mul3A_12 = arith.muli %arg1, %mul3A_11 : i32
    %mul3A_13 = arith.constant 624 : i32
    %mul3A_14 = arith.muli %arg1, %mul3A_13 : i32
    "tpu.region"() ({
      %run_scoped3A = tpu.sem_alloc : memref<!tpu.dma_semaphore, #tpu.memory_space<semaphore_mem>>
      %dma_start3A = arith.constant 0 : i32
      %dma_start3A_20 = tpu.memref_slice %arg6[%arg0, %mul3A_14, %dma_start3A] : memref<2x10000x128xf32, #tpu.memory_space<hbm>> -> memref<1x624x128xf32, #tpu.memory_space<hbm>>
      %dma_start3A_21 = tpu.memref_squeeze %dma_start3A_20 : memref<1x624x128xf32, #tpu.memory_space<hbm>> -> memref<624x128xf32, #tpu.memory_space<hbm>>
      %dma_start3A_22 = arith.constant 0 : i32
      %dma_start3A_23 = tpu.memref_slice %arg11[%mul3A_12, %dma_start3A_22] : memref<10000x128xf32, #tpu.memory_space<vmem_shared>> -> memref<624x128xf32, #tpu.memory_space<vmem_shared>>
      tpu.enqueue_dma source(%dma_start3A_23 : memref<624x128xf32, #tpu.memory_space<vmem_shared>>) target(%dma_start3A_21 : memref<624x128xf32, #tpu.memory_space<hbm>>) target_semaphore(%run_scoped3A : memref<!tpu.dma_semaphore, #tpu.memory_space<semaphore_mem>>)
      %dma_wait3A = arith.constant 0 : i32
      %dma_wait3A_24 = tpu.memref_slice %arg6[%arg0, %mul3A_14, %dma_wait3A] : memref<2x10000x128xf32, #tpu.memory_space<hbm>> -> memref<1x624x128xf32, #tpu.memory_space<hbm>>
      %dma_wait3A_25 = tpu.memref_squeeze %dma_wait3A_24 : memref<1x624x128xf32, #tpu.memory_space<hbm>> -> memref<624x128xf32, #tpu.memory_space<hbm>>
      %dma_wait3A_26 = arith.constant 0 : i32
      %dma_wait3A_27 = tpu.memref_slice %arg11[%mul3A_12, %dma_wait3A_26] : memref<10000x128xf32, #tpu.memory_space<vmem_shared>> -> memref<624x128xf32, #tpu.memory_space<vmem_shared>>
      tpu.wait_dma2 semaphore(%run_scoped3A : memref<!tpu.dma_semaphore, #tpu.memory_space<semaphore_mem>>) src(%dma_wait3A_27 : memref<624x128xf32, #tpu.memory_space<vmem_shared>>) dst(%dma_wait3A_25 : memref<624x128xf32, #tpu.memory_space<hbm>>)
      tpu.yield
    }) : () -> ()
    %eq3A_15 = arith.constant 0 : i32
    %eq3A_16 = arith.cmpi eq, %arg1, %eq3A_15 : i32
    %convert_element_type3A_17 = arith.extui %eq3A_16 : i1 to i32
    %cond3A_18 = arith.constant 0 : i32
    %cond3A_19 = arith.cmpi ne, %convert_element_type3A_17, %cond3A_18 : i32
    scf.if %cond3A_19 {
      "tpu.region"() ({
        %run_scoped3A = tpu.sem_alloc : memref<!tpu.dma_semaphore, #tpu.memory_space<semaphore_mem>>
        %dma_start3A = arith.constant 9984 : i32
        %dma_start3A_20 = arith.constant 0 : i32
        %dma_start3A_21 = tpu.memref_slice %arg6[%arg0, %dma_start3A, %dma_start3A_20] : memref<2x10000x128xf32, #tpu.memory_space<hbm>> -> memref<1x16x128xf32, #tpu.memory_space<hbm>>
        %dma_start3A_22 = tpu.memref_squeeze %dma_start3A_21 : memref<1x16x128xf32, #tpu.memory_space<hbm>> -> memref<16x128xf32, #tpu.memory_space<hbm>>
        %dma_start3A_23 = arith.constant 9984 : i32
        %dma_start3A_24 = arith.constant 0 : i32
        %dma_start3A_25 = tpu.memref_slice %arg11[%dma_start3A_23, %dma_start3A_24] : memref<10000x128xf32, #tpu.memory_space<vmem_shared>> -> memref<16x128xf32, #tpu.memory_space<vmem_shared>>
        tpu.enqueue_dma source(%dma_start3A_25 : memref<16x128xf32, #tpu.memory_space<vmem_shared>>) target(%dma_start3A_22 : memref<16x128xf32, #tpu.memory_space<hbm>>) target_semaphore(%run_scoped3A : memref<!tpu.dma_semaphore, #tpu.memory_space<semaphore_mem>>)
        %dma_wait3A = arith.constant 9984 : i32
        %dma_wait3A_26 = arith.constant 0 : i32
        %dma_wait3A_27 = tpu.memref_slice %arg6[%arg0, %dma_wait3A, %dma_wait3A_26] : memref<2x10000x128xf32, #tpu.memory_space<hbm>> -> memref<1x16x128xf32, #tpu.memory_space<hbm>>
        %dma_wait3A_28 = tpu.memref_squeeze %dma_wait3A_27 : memref<1x16x128xf32, #tpu.memory_space<hbm>> -> memref<16x128xf32, #tpu.memory_space<hbm>>
        %dma_wait3A_29 = arith.constant 9984 : i32
        %dma_wait3A_30 = arith.constant 0 : i32
        %dma_wait3A_31 = tpu.memref_slice %arg11[%dma_wait3A_29, %dma_wait3A_30] : memref<10000x128xf32, #tpu.memory_space<vmem_shared>> -> memref<16x128xf32, #tpu.memory_space<vmem_shared>>
        tpu.wait_dma2 semaphore(%run_scoped3A : memref<!tpu.dma_semaphore, #tpu.memory_space<semaphore_mem>>) src(%dma_wait3A_31 : memref<16x128xf32, #tpu.memory_space<vmem_shared>>) dst(%dma_wait3A_28 : memref<16x128xf32, #tpu.memory_space<hbm>>)
        tpu.yield
      }) : () -> ()
    } else {
    }
    return
  }
}

#map = affine_map<(d0, d1) -> (0, 0)>
#map1 = affine_map<(d0, d1) -> (0, 0, 0)>
module attributes {stable_mosaic.version = 14 : i64} {
  func.func @_sc_agg(%arg0: i32, %arg1: i32, %arg2: memref<10000x128xf32, #tpu.memory_space<hbm>>, %arg3: memref<32x125x80xi32, #tpu.memory_space<hbm>>, %arg4: memref<32x125x80xi32, #tpu.memory_space<hbm>>, %arg5: memref<624x128xf32, #tpu.memory_space<hbm>>, %arg6: memref<2x10000x128xf32, #tpu.memory_space<hbm>>, %arg7: memref<125x80xi32, #tpu.memory_space<vmem>>, %arg8: memref<125x80xi32, #tpu.memory_space<vmem>>, %arg9: memref<80x128xf32, #tpu.memory_space<vmem>>, %arg10: memref<!tpu.dma_semaphore, #tpu.memory_space<semaphore_mem>>, %arg11: memref<10000x128xf32, #tpu.memory_space<vmem_shared>>) attributes {dimension_semantics = [#tpu.dimension_semantics<core_parallel>, #tpu.dimension_semantics<subcore_parallel>], iteration_bounds = array<i64: 2, 16>, scalar_prefetch = 0 : i64, scratch_operands = 5 : i64, tpu.core_type = #tpu.core_type<sc_vector_subcore>, window_params = [{transform_indices = #map}, {transform_indices = #map1}, {transform_indices = #map1}, {transform_indices = #map}, {transform_indices = #map1}]} {
    %mul3A = arith.constant 2 : i32
    %mul3A_0 = arith.muli %arg1, %mul3A : i32
    %add3A = arith.addi %mul3A_0, %arg0 : i32
    %mul3A_1 = arith.constant 624 : i32
    %mul3A_2 = arith.muli %arg1, %mul3A_1 : i32
    "tpu.region"() ({
      %run_scoped3A = tpu.sem_alloc : memref<!tpu.dma_semaphore, #tpu.memory_space<semaphore_mem>>
      %dma_start3A = arith.constant 0 : i32
      %dma_start3A_20 = tpu.memref_slice %arg11[%mul3A_2, %dma_start3A] : memref<10000x128xf32, #tpu.memory_space<vmem_shared>> -> memref<624x128xf32, #tpu.memory_space<vmem_shared>>
      %dma_start3A_21 = arith.constant 0 : i32
      %dma_start3A_22 = arith.constant 0 : i32
      %dma_start3A_23 = tpu.memref_slice %arg5[%dma_start3A_21, %dma_start3A_22] : memref<624x128xf32, #tpu.memory_space<hbm>> -> memref<624x128xf32, #tpu.memory_space<hbm>>
      tpu.enqueue_dma source(%dma_start3A_23 : memref<624x128xf32, #tpu.memory_space<hbm>>) target(%dma_start3A_20 : memref<624x128xf32, #tpu.memory_space<vmem_shared>>) target_semaphore(%run_scoped3A : memref<!tpu.dma_semaphore, #tpu.memory_space<semaphore_mem>>)
      %dma_wait3A = arith.constant 0 : i32
      %dma_wait3A_24 = tpu.memref_slice %arg11[%mul3A_2, %dma_wait3A] : memref<10000x128xf32, #tpu.memory_space<vmem_shared>> -> memref<624x128xf32, #tpu.memory_space<vmem_shared>>
      %dma_wait3A_25 = arith.constant 0 : i32
      %dma_wait3A_26 = arith.constant 0 : i32
      %dma_wait3A_27 = tpu.memref_slice %arg5[%dma_wait3A_25, %dma_wait3A_26] : memref<624x128xf32, #tpu.memory_space<hbm>> -> memref<624x128xf32, #tpu.memory_space<hbm>>
      tpu.wait_dma2 semaphore(%run_scoped3A : memref<!tpu.dma_semaphore, #tpu.memory_space<semaphore_mem>>) src(%dma_wait3A_27 : memref<624x128xf32, #tpu.memory_space<hbm>>) dst(%dma_wait3A_24 : memref<624x128xf32, #tpu.memory_space<vmem_shared>>)
      tpu.yield
    }) : () -> ()
    %eq3A = arith.constant 0 : i32
    %eq3A_3 = arith.cmpi eq, %arg1, %eq3A : i32
    %convert_element_type3A = arith.extui %eq3A_3 : i1 to i32
    %cond3A = arith.constant 0 : i32
    %cond3A_4 = arith.cmpi ne, %convert_element_type3A, %cond3A : i32
    scf.if %cond3A_4 {
      "tpu.region"() ({
        %run_scoped3A = tpu.sem_alloc : memref<!tpu.dma_semaphore, #tpu.memory_space<semaphore_mem>>
        %dma_start3A = arith.constant 9984 : i32
        %dma_start3A_20 = arith.constant 0 : i32
        %dma_start3A_21 = tpu.memref_slice %arg11[%dma_start3A, %dma_start3A_20] : memref<10000x128xf32, #tpu.memory_space<vmem_shared>> -> memref<16x128xf32, #tpu.memory_space<vmem_shared>>
        %dma_start3A_22 = arith.constant 0 : i32
        %dma_start3A_23 = arith.constant 0 : i32
        %dma_start3A_24 = tpu.memref_slice %arg5[%dma_start3A_22, %dma_start3A_23] : memref<624x128xf32, #tpu.memory_space<hbm>> -> memref<16x128xf32, #tpu.memory_space<hbm>>
        tpu.enqueue_dma source(%dma_start3A_24 : memref<16x128xf32, #tpu.memory_space<hbm>>) target(%dma_start3A_21 : memref<16x128xf32, #tpu.memory_space<vmem_shared>>) target_semaphore(%run_scoped3A : memref<!tpu.dma_semaphore, #tpu.memory_space<semaphore_mem>>)
        %dma_wait3A = arith.constant 9984 : i32
        %dma_wait3A_25 = arith.constant 0 : i32
        %dma_wait3A_26 = tpu.memref_slice %arg11[%dma_wait3A, %dma_wait3A_25] : memref<10000x128xf32, #tpu.memory_space<vmem_shared>> -> memref<16x128xf32, #tpu.memory_space<vmem_shared>>
        %dma_wait3A_27 = arith.constant 0 : i32
        %dma_wait3A_28 = arith.constant 0 : i32
        %dma_wait3A_29 = tpu.memref_slice %arg5[%dma_wait3A_27, %dma_wait3A_28] : memref<624x128xf32, #tpu.memory_space<hbm>> -> memref<16x128xf32, #tpu.memory_space<hbm>>
        tpu.wait_dma2 semaphore(%run_scoped3A : memref<!tpu.dma_semaphore, #tpu.memory_space<semaphore_mem>>) src(%dma_wait3A_29 : memref<16x128xf32, #tpu.memory_space<hbm>>) dst(%dma_wait3A_26 : memref<16x128xf32, #tpu.memory_space<vmem_shared>>)
        tpu.yield
      }) : () -> ()
    } else {
    }
    "tpu.region"() ({
      %run_scoped3A = tpu.sem_alloc : memref<!tpu.dma_semaphore, #tpu.memory_space<semaphore_mem>>
      %dma_start3A = arith.constant 0 : i32
      %dma_start3A_20 = arith.constant 0 : i32
      %dma_start3A_21 = tpu.memref_slice %arg3[%add3A, %dma_start3A, %dma_start3A_20] : memref<32x125x80xi32, #tpu.memory_space<hbm>> -> memref<1x125x80xi32, #tpu.memory_space<hbm>>
      %dma_start3A_22 = tpu.memref_squeeze %dma_start3A_21 : memref<1x125x80xi32, #tpu.memory_space<hbm>> -> memref<125x80xi32, #tpu.memory_space<hbm>>
      %dma_start3A_23 = arith.constant 0 : i32
      %dma_start3A_24 = arith.constant 0 : i32
      %dma_start3A_25 = tpu.memref_slice %arg3[%add3A, %dma_start3A_23, %dma_start3A_24] : memref<32x125x80xi32, #tpu.memory_space<hbm>> -> memref<1x125x80xi32, #tpu.memory_space<hbm>>
      %dma_start3A_26 = tpu.memref_squeeze %dma_start3A_25 : memref<1x125x80xi32, #tpu.memory_space<hbm>> -> memref<125x80xi32, #tpu.memory_space<hbm>>
      tpu.enqueue_dma source(%dma_start3A_26 : memref<125x80xi32, #tpu.memory_space<hbm>>) target(%arg7 : memref<125x80xi32, #tpu.memory_space<vmem>>) target_semaphore(%run_scoped3A : memref<!tpu.dma_semaphore, #tpu.memory_space<semaphore_mem>>)
      %dma_wait3A = arith.constant 0 : i32
      %dma_wait3A_27 = arith.constant 0 : i32
      %dma_wait3A_28 = tpu.memref_slice %arg3[%add3A, %dma_wait3A, %dma_wait3A_27] : memref<32x125x80xi32, #tpu.memory_space<hbm>> -> memref<1x125x80xi32, #tpu.memory_space<hbm>>
      %dma_wait3A_29 = tpu.memref_squeeze %dma_wait3A_28 : memref<1x125x80xi32, #tpu.memory_space<hbm>> -> memref<125x80xi32, #tpu.memory_space<hbm>>
      %dma_wait3A_30 = arith.constant 0 : i32
      %dma_wait3A_31 = arith.constant 0 : i32
      %dma_wait3A_32 = tpu.memref_slice %arg3[%add3A, %dma_wait3A_30, %dma_wait3A_31] : memref<32x125x80xi32, #tpu.memory_space<hbm>> -> memref<1x125x80xi32, #tpu.memory_space<hbm>>
      %dma_wait3A_33 = tpu.memref_squeeze %dma_wait3A_32 : memref<1x125x80xi32, #tpu.memory_space<hbm>> -> memref<125x80xi32, #tpu.memory_space<hbm>>
      tpu.wait_dma2 semaphore(%run_scoped3A : memref<!tpu.dma_semaphore, #tpu.memory_space<semaphore_mem>>) src(%dma_wait3A_33 : memref<125x80xi32, #tpu.memory_space<hbm>>) dst(%arg7 : memref<125x80xi32, #tpu.memory_space<vmem>>)
      tpu.yield
    }) : () -> ()
    "tpu.region"() ({
      %run_scoped3A = tpu.sem_alloc : memref<!tpu.dma_semaphore, #tpu.memory_space<semaphore_mem>>
      %dma_start3A = arith.constant 0 : i32
      %dma_start3A_20 = arith.constant 0 : i32
      %dma_start3A_21 = tpu.memref_slice %arg4[%add3A, %dma_start3A, %dma_start3A_20] : memref<32x125x80xi32, #tpu.memory_space<hbm>> -> memref<1x125x80xi32, #tpu.memory_space<hbm>>
      %dma_start3A_22 = tpu.memref_squeeze %dma_start3A_21 : memref<1x125x80xi32, #tpu.memory_space<hbm>> -> memref<125x80xi32, #tpu.memory_space<hbm>>
      %dma_start3A_23 = arith.constant 0 : i32
      %dma_start3A_24 = arith.constant 0 : i32
      %dma_start3A_25 = tpu.memref_slice %arg4[%add3A, %dma_start3A_23, %dma_start3A_24] : memref<32x125x80xi32, #tpu.memory_space<hbm>> -> memref<1x125x80xi32, #tpu.memory_space<hbm>>
      %dma_start3A_26 = tpu.memref_squeeze %dma_start3A_25 : memref<1x125x80xi32, #tpu.memory_space<hbm>> -> memref<125x80xi32, #tpu.memory_space<hbm>>
      tpu.enqueue_dma source(%dma_start3A_26 : memref<125x80xi32, #tpu.memory_space<hbm>>) target(%arg8 : memref<125x80xi32, #tpu.memory_space<vmem>>) target_semaphore(%run_scoped3A : memref<!tpu.dma_semaphore, #tpu.memory_space<semaphore_mem>>)
      %dma_wait3A = arith.constant 0 : i32
      %dma_wait3A_27 = arith.constant 0 : i32
      %dma_wait3A_28 = tpu.memref_slice %arg4[%add3A, %dma_wait3A, %dma_wait3A_27] : memref<32x125x80xi32, #tpu.memory_space<hbm>> -> memref<1x125x80xi32, #tpu.memory_space<hbm>>
      %dma_wait3A_29 = tpu.memref_squeeze %dma_wait3A_28 : memref<1x125x80xi32, #tpu.memory_space<hbm>> -> memref<125x80xi32, #tpu.memory_space<hbm>>
      %dma_wait3A_30 = arith.constant 0 : i32
      %dma_wait3A_31 = arith.constant 0 : i32
      %dma_wait3A_32 = tpu.memref_slice %arg4[%add3A, %dma_wait3A_30, %dma_wait3A_31] : memref<32x125x80xi32, #tpu.memory_space<hbm>> -> memref<1x125x80xi32, #tpu.memory_space<hbm>>
      %dma_wait3A_33 = tpu.memref_squeeze %dma_wait3A_32 : memref<1x125x80xi32, #tpu.memory_space<hbm>> -> memref<125x80xi32, #tpu.memory_space<hbm>>
      tpu.wait_dma2 semaphore(%run_scoped3A : memref<!tpu.dma_semaphore, #tpu.memory_space<semaphore_mem>>) src(%dma_wait3A_33 : memref<125x80xi32, #tpu.memory_space<hbm>>) dst(%arg8 : memref<125x80xi32, #tpu.memory_space<vmem>>)
      tpu.yield
    }) : () -> ()
    %barrier3A = arith.constant 0 : index
    tpu.barrier barrier_id(%barrier3A)
    %scan3A = arith.constant 0 : i32
    %scan3A_5 = arith.constant 0 : i32
    %scan3A_6 = arith.constant 125 : i32
    %scan3A_7 = arith.addi %scan3A_5, %scan3A_6 : i32
    %scan3A_8 = arith.constant 1 : i32
    scf.for %scan3A_20 = %scan3A_5 to %scan3A_7 step %scan3A_8  : i32 {
      %dma_start3A = arith.constant 0 : i32
      %dma_start3A_21 = tpu.memref_slice %arg7[%scan3A_20, %dma_start3A] : memref<125x80xi32, #tpu.memory_space<vmem>> -> memref<1x80xi32, #tpu.memory_space<vmem>>
      %dma_start3A_22 = tpu.memref_squeeze %dma_start3A_21 : memref<1x80xi32, #tpu.memory_space<vmem>> -> memref<80xi32, #tpu.memory_space<vmem>>
      %dma_start3A_23 = arith.constant 0 : i32
      %dma_start3A_24 = arith.constant 0 : i32
      %dma_start3A_25 = tpu.memref_slice %arg2[%dma_start3A_23, %dma_start3A_24] : memref<10000x128xf32, #tpu.memory_space<hbm>> -> memref<10000x128xf32, #tpu.memory_space<hbm>>
      tpu.enqueue_indirect_dma source(%dma_start3A_25 : memref<10000x128xf32, #tpu.memory_space<hbm>>) target(%arg9 : memref<80x128xf32, #tpu.memory_space<vmem>>) offsets(%dma_start3A_22 : memref<80xi32, #tpu.memory_space<vmem>>) semaphore(%arg10 : memref<!tpu.dma_semaphore, #tpu.memory_space<semaphore_mem>>)
      %dma_wait3A = arith.constant 0 : i32
      %dma_wait3A_26 = tpu.memref_slice %arg7[%scan3A_20, %dma_wait3A] : memref<125x80xi32, #tpu.memory_space<vmem>> -> memref<1x80xi32, #tpu.memory_space<vmem>>
      %dma_wait3A_27 = tpu.memref_squeeze %dma_wait3A_26 : memref<1x80xi32, #tpu.memory_space<vmem>> -> memref<80xi32, #tpu.memory_space<vmem>>
      %dma_wait3A_28 = arith.constant 0 : i32
      %dma_wait3A_29 = arith.constant 0 : i32
      %dma_wait3A_30 = tpu.memref_slice %arg2[%dma_wait3A_28, %dma_wait3A_29] : memref<10000x128xf32, #tpu.memory_space<hbm>> -> memref<10000x128xf32, #tpu.memory_space<hbm>>
      tpu.wait_indirect_dma semaphore(%arg10 : memref<!tpu.dma_semaphore, #tpu.memory_space<semaphore_mem>>) src(%dma_wait3A_30 : memref<10000x128xf32, #tpu.memory_space<hbm>>) dst(%arg9 : memref<80x128xf32, #tpu.memory_space<vmem>>)
      "tpu.region"() ({
        %run_scoped3A = tpu.sem_alloc : memref<!tpu.dma_semaphore, #tpu.memory_space<semaphore_mem>>
        %dma_start3A_31 = arith.constant 0 : i32
        %dma_start3A_32 = tpu.memref_slice %arg8[%scan3A_20, %dma_start3A_31] : memref<125x80xi32, #tpu.memory_space<vmem>> -> memref<1x80xi32, #tpu.memory_space<vmem>>
        %dma_start3A_33 = tpu.memref_squeeze %dma_start3A_32 : memref<1x80xi32, #tpu.memory_space<vmem>> -> memref<80xi32, #tpu.memory_space<vmem>>
        %dma_start3A_34 = arith.constant 0 : i32
        %dma_start3A_35 = arith.constant 0 : i32
        %dma_start3A_36 = tpu.memref_slice %arg11[%dma_start3A_34, %dma_start3A_35] : memref<10000x128xf32, #tpu.memory_space<vmem_shared>> -> memref<10000x128xf32, #tpu.memory_space<vmem_shared>>
        tpu.enqueue_indirect_dma source(%arg9 : memref<80x128xf32, #tpu.memory_space<vmem>>) target(%dma_start3A_36 : memref<10000x128xf32, #tpu.memory_space<vmem_shared>>) offsets(%dma_start3A_33 : memref<80xi32, #tpu.memory_space<vmem>>) semaphore(%run_scoped3A : memref<!tpu.dma_semaphore, #tpu.memory_space<semaphore_mem>>) {add = true}
        %dma_wait3A_37 = arith.constant 0 : i32
        %dma_wait3A_38 = tpu.memref_slice %arg8[%scan3A_20, %dma_wait3A_37] : memref<125x80xi32, #tpu.memory_space<vmem>> -> memref<1x80xi32, #tpu.memory_space<vmem>>
        %dma_wait3A_39 = tpu.memref_squeeze %dma_wait3A_38 : memref<1x80xi32, #tpu.memory_space<vmem>> -> memref<80xi32, #tpu.memory_space<vmem>>
        %dma_wait3A_40 = arith.constant 0 : i32
        %dma_wait3A_41 = arith.constant 0 : i32
        %dma_wait3A_42 = tpu.memref_slice %arg11[%dma_wait3A_40, %dma_wait3A_41] : memref<10000x128xf32, #tpu.memory_space<vmem_shared>> -> memref<10000x128xf32, #tpu.memory_space<vmem_shared>>
        tpu.wait_indirect_dma semaphore(%run_scoped3A : memref<!tpu.dma_semaphore, #tpu.memory_space<semaphore_mem>>) src(%arg9 : memref<80x128xf32, #tpu.memory_space<vmem>>) dst(%dma_wait3A_42 : memref<10000x128xf32, #tpu.memory_space<vmem_shared>>)
        tpu.yield
      }) : () -> ()
    }
    %scan3A_9 = arith.constant 125 : i32
    %barrier3A_10 = arith.constant 0 : index
    tpu.barrier barrier_id(%barrier3A_10)
    %mul3A_11 = arith.constant 624 : i32
    %mul3A_12 = arith.muli %arg1, %mul3A_11 : i32
    %mul3A_13 = arith.constant 624 : i32
    %mul3A_14 = arith.muli %arg1, %mul3A_13 : i32
    "tpu.region"() ({
      %run_scoped3A = tpu.sem_alloc : memref<!tpu.dma_semaphore, #tpu.memory_space<semaphore_mem>>
      %dma_start3A = arith.constant 0 : i32
      %dma_start3A_20 = tpu.memref_slice %arg6[%arg0, %mul3A_14, %dma_start3A] : memref<2x10000x128xf32, #tpu.memory_space<hbm>> -> memref<1x624x128xf32, #tpu.memory_space<hbm>>
      %dma_start3A_21 = tpu.memref_squeeze %dma_start3A_20 : memref<1x624x128xf32, #tpu.memory_space<hbm>> -> memref<624x128xf32, #tpu.memory_space<hbm>>
      %dma_start3A_22 = arith.constant 0 : i32
      %dma_start3A_23 = tpu.memref_slice %arg11[%mul3A_12, %dma_start3A_22] : memref<10000x128xf32, #tpu.memory_space<vmem_shared>> -> memref<624x128xf32, #tpu.memory_space<vmem_shared>>
      tpu.enqueue_dma source(%dma_start3A_23 : memref<624x128xf32, #tpu.memory_space<vmem_shared>>) target(%dma_start3A_21 : memref<624x128xf32, #tpu.memory_space<hbm>>) target_semaphore(%run_scoped3A : memref<!tpu.dma_semaphore, #tpu.memory_space<semaphore_mem>>)
      %dma_wait3A = arith.constant 0 : i32
      %dma_wait3A_24 = tpu.memref_slice %arg6[%arg0, %mul3A_14, %dma_wait3A] : memref<2x10000x128xf32, #tpu.memory_space<hbm>> -> memref<1x624x128xf32, #tpu.memory_space<hbm>>
      %dma_wait3A_25 = tpu.memref_squeeze %dma_wait3A_24 : memref<1x624x128xf32, #tpu.memory_space<hbm>> -> memref<624x128xf32, #tpu.memory_space<hbm>>
      %dma_wait3A_26 = arith.constant 0 : i32
      %dma_wait3A_27 = tpu.memref_slice %arg11[%mul3A_12, %dma_wait3A_26] : memref<10000x128xf32, #tpu.memory_space<vmem_shared>> -> memref<624x128xf32, #tpu.memory_space<vmem_shared>>
      tpu.wait_dma2 semaphore(%run_scoped3A : memref<!tpu.dma_semaphore, #tpu.memory_space<semaphore_mem>>) src(%dma_wait3A_27 : memref<624x128xf32, #tpu.memory_space<vmem_shared>>) dst(%dma_wait3A_25 : memref<624x128xf32, #tpu.memory_space<hbm>>)
      tpu.yield
    }) : () -> ()
    %eq3A_15 = arith.constant 0 : i32
    %eq3A_16 = arith.cmpi eq, %arg1, %eq3A_15 : i32
    %convert_element_type3A_17 = arith.extui %eq3A_16 : i1 to i32
    %cond3A_18 = arith.constant 0 : i32
    %cond3A_19 = arith.cmpi ne, %convert_element_type3A_17, %cond3A_18 : i32
    scf.if %cond3A_19 {
      "tpu.region"() ({
        %run_scoped3A = tpu.sem_alloc : memref<!tpu.dma_semaphore, #tpu.memory_space<semaphore_mem>>
        %dma_start3A = arith.constant 9984 : i32
        %dma_start3A_20 = arith.constant 0 : i32
        %dma_start3A_21 = tpu.memref_slice %arg6[%arg0, %dma_start3A, %dma_start3A_20] : memref<2x10000x128xf32, #tpu.memory_space<hbm>> -> memref<1x16x128xf32, #tpu.memory_space<hbm>>
        %dma_start3A_22 = tpu.memref_squeeze %dma_start3A_21 : memref<1x16x128xf32, #tpu.memory_space<hbm>> -> memref<16x128xf32, #tpu.memory_space<hbm>>
        %dma_start3A_23 = arith.constant 9984 : i32
        %dma_start3A_24 = arith.constant 0 : i32
        %dma_start3A_25 = tpu.memref_slice %arg11[%dma_start3A_23, %dma_start3A_24] : memref<10000x128xf32, #tpu.memory_space<vmem_shared>> -> memref<16x128xf32, #tpu.memory_space<vmem_shared>>
        tpu.enqueue_dma source(%dma_start3A_25 : memref<16x128xf32, #tpu.memory_space<vmem_shared>>) target(%dma_start3A_22 : memref<16x128xf32, #tpu.memory_space<hbm>>) target_semaphore(%run_scoped3A : memref<!tpu.dma_semaphore, #tpu.memory_space<semaphore_mem>>)
        %dma_wait3A = arith.constant 9984 : i32
        %dma_wait3A_26 = arith.constant 0 : i32
        %dma_wait3A_27 = tpu.memref_slice %arg6[%arg0, %dma_wait3A, %dma_wait3A_26] : memref<2x10000x128xf32, #tpu.memory_space<hbm>> -> memref<1x16x128xf32, #tpu.memory_space<hbm>>
        %dma_wait3A_28 = tpu.memref_squeeze %dma_wait3A_27 : memref<1x16x128xf32, #tpu.memory_space<hbm>> -> memref<16x128xf32, #tpu.memory_space<hbm>>
        %dma_wait3A_29 = arith.constant 9984 : i32
        %dma_wait3A_30 = arith.constant 0 : i32
        %dma_wait3A_31 = tpu.memref_slice %arg11[%dma_wait3A_29, %dma_wait3A_30] : memref<10000x128xf32, #tpu.memory_space<vmem_shared>> -> memref<16x128xf32, #tpu.memory_space<vmem_shared>>
        tpu.wait_dma2 semaphore(%run_scoped3A : memref<!tpu.dma_semaphore, #tpu.memory_space<semaphore_mem>>) src(%dma_wait3A_31 : memref<16x128xf32, #tpu.memory_space<vmem_shared>>) dst(%dma_wait3A_28 : memref<16x128xf32, #tpu.memory_space<hbm>>)
        tpu.yield
      }) : () -> ()
    } else {
    }
    return
  }
}

#map = affine_map<(d0, d1) -> (0, 0)>
module attributes {stable_mosaic.version = 14 : i64} {
  func.func @_sc_deg(%arg0: i32, %arg1: i32, %arg2: memref<32x10000xi32, #tpu.memory_space<hbm>>, %arg3: memref<32x10000xf32, #tpu.memory_space<hbm>>, %arg4: memref<10000xi32, #tpu.memory_space<vmem>>, %arg5: memref<10000xf32, #tpu.memory_space<vmem>>) attributes {dimension_semantics = [#tpu.dimension_semantics<core_parallel>, #tpu.dimension_semantics<subcore_parallel>], iteration_bounds = array<i64: 2, 16>, scalar_prefetch = 0 : i64, scratch_operands = 2 : i64, tpu.core_type = #tpu.core_type<sc_vector_subcore>, window_params = [{transform_indices = #map}, {transform_indices = #map}]} {
    %mul3A = arith.constant 2 : i32
    %mul3A_0 = arith.muli %arg1, %mul3A : i32
    %add3A = arith.addi %mul3A_0, %arg0 : i32
    %scan3A = arith.constant 0 : i32
    %scan3A_1 = arith.constant 0 : i32
    %scan3A_2 = arith.constant 625 : i32
    %scan3A_3 = arith.addi %scan3A_1, %scan3A_2 : i32
    %scan3A_4 = arith.constant 1 : i32
    scf.for %scan3A_13 = %scan3A_1 to %scan3A_3 step %scan3A_4  : i32 {
      %broadcast_in_dim3A_14 = arith.constant 0.000000e+00 : f32
      %broadcast_in_dim3A_15 = vector.broadcast %broadcast_in_dim3A_14 : f32 to vector<16xf32>
      %mul3A_16 = arith.constant 16 : i32
      %mul3A_17 = arith.muli %scan3A_13, %mul3A_16 : i32
      %swap3A = arith.index_cast %mul3A_17 : i32 to index
      %swap3A_18 = tpu.vector_load %arg5[%swap3A] {strides = array<i32>} : memref<10000xf32, #tpu.memory_space<vmem>>, vector<16xf32>,
      tpu.vector_store %arg5[%swap3A], %broadcast_in_dim3A_15 {strides = array<i32>} : memref<10000xf32, #tpu.memory_space<vmem>>, vector<16xf32>,
    }
    %scan3A_5 = arith.constant 625 : i32
    "tpu.region"() ({
      %run_scoped3A = tpu.sem_alloc : memref<!tpu.dma_semaphore, #tpu.memory_space<semaphore_mem>>
      %dma_start3A = arith.constant 0 : i32
      %dma_start3A_13 = tpu.memref_slice %arg2[%add3A, %dma_start3A] : memref<32x10000xi32, #tpu.memory_space<hbm>> -> memref<1x10000xi32, #tpu.memory_space<hbm>>
      %dma_start3A_14 = tpu.memref_squeeze %dma_start3A_13 : memref<1x10000xi32, #tpu.memory_space<hbm>> -> memref<10000xi32, #tpu.memory_space<hbm>>
      %dma_start3A_15 = arith.constant 0 : i32
      %dma_start3A_16 = tpu.memref_slice %arg2[%add3A, %dma_start3A_15] : memref<32x10000xi32, #tpu.memory_space<hbm>> -> memref<1x10000xi32, #tpu.memory_space<hbm>>
      %dma_start3A_17 = tpu.memref_squeeze %dma_start3A_16 : memref<1x10000xi32, #tpu.memory_space<hbm>> -> memref<10000xi32, #tpu.memory_space<hbm>>
      tpu.enqueue_dma source(%dma_start3A_17 : memref<10000xi32, #tpu.memory_space<hbm>>) target(%arg4 : memref<10000xi32, #tpu.memory_space<vmem>>) target_semaphore(%run_scoped3A : memref<!tpu.dma_semaphore, #tpu.memory_space<semaphore_mem>>)
      %dma_wait3A = arith.constant 0 : i32
      %dma_wait3A_18 = tpu.memref_slice %arg2[%add3A, %dma_wait3A] : memref<32x10000xi32, #tpu.memory_space<hbm>> -> memref<1x10000xi32, #tpu.memory_space<hbm>>
      %dma_wait3A_19 = tpu.memref_squeeze %dma_wait3A_18 : memref<1x10000xi32, #tpu.memory_space<hbm>> -> memref<10000xi32, #tpu.memory_space<hbm>>
      %dma_wait3A_20 = arith.constant 0 : i32
      %dma_wait3A_21 = tpu.memref_slice %arg2[%add3A, %dma_wait3A_20] : memref<32x10000xi32, #tpu.memory_space<hbm>> -> memref<1x10000xi32, #tpu.memory_space<hbm>>
      %dma_wait3A_22 = tpu.memref_squeeze %dma_wait3A_21 : memref<1x10000xi32, #tpu.memory_space<hbm>> -> memref<10000xi32, #tpu.memory_space<hbm>>
      tpu.wait_dma2 semaphore(%run_scoped3A : memref<!tpu.dma_semaphore, #tpu.memory_space<semaphore_mem>>) src(%dma_wait3A_22 : memref<10000xi32, #tpu.memory_space<hbm>>) dst(%arg4 : memref<10000xi32, #tpu.memory_space<vmem>>)
      tpu.yield
    }) : () -> ()
    %broadcast_in_dim3A = arith.constant 1.000000e+00 : f32
    %broadcast_in_dim3A_6 = vector.broadcast %broadcast_in_dim3A : f32 to vector<16xf32>
    %scan3A_7 = arith.constant 0 : i32
    %scan3A_8 = arith.constant 0 : i32
    %scan3A_9 = arith.constant 625 : i32
    %scan3A_10 = arith.addi %scan3A_8, %scan3A_9 : i32
    %scan3A_11 = arith.constant 1 : i32
    scf.for %scan3A_13 = %scan3A_8 to %scan3A_10 step %scan3A_11  : i32 {
      %mul3A_14 = arith.constant 16 : i32
      %mul3A_15 = arith.muli %scan3A_13, %mul3A_14 : i32
      %get3A = arith.index_cast %mul3A_15 : i32 to index
      %get3A_16 = tpu.vector_load %arg4[%get3A] {strides = array<i32>} : memref<10000xi32, #tpu.memory_space<vmem>>, vector<16xi32>,
      tpu.vector_store_idx %arg5[%get3A_16], %broadcast_in_dim3A_6 {add = true} : memref<10000xf32, #tpu.memory_space<vmem>>[vector<16xi32>], vector<16xf32>,
    }
    %scan3A_12 = arith.constant 625 : i32
    "tpu.region"() ({
      %run_scoped3A = tpu.sem_alloc : memref<!tpu.dma_semaphore, #tpu.memory_space<semaphore_mem>>
      %dma_start3A = arith.constant 0 : i32
      %dma_start3A_13 = tpu.memref_slice %arg3[%add3A, %dma_start3A] : memref<32x10000xf32, #tpu.memory_space<hbm>> -> memref<1x10000xf32, #tpu.memory_space<hbm>>
      %dma_start3A_14 = tpu.memref_squeeze %dma_start3A_13 : memref<1x10000xf32, #tpu.memory_space<hbm>> -> memref<10000xf32, #tpu.memory_space<hbm>>
      %dma_start3A_15 = arith.constant 0 : i32
      %dma_start3A_16 = tpu.memref_slice %arg3[%add3A, %dma_start3A_15] : memref<32x10000xf32, #tpu.memory_space<hbm>> -> memref<1x10000xf32, #tpu.memory_space<hbm>>
      %dma_start3A_17 = tpu.memref_squeeze %dma_start3A_16 : memref<1x10000xf32, #tpu.memory_space<hbm>> -> memref<10000xf32, #tpu.memory_space<hbm>>
      tpu.enqueue_dma source(%arg5 : memref<10000xf32, #tpu.memory_space<vmem>>) target(%dma_start3A_17 : memref<10000xf32, #tpu.memory_space<hbm>>) target_semaphore(%run_scoped3A : memref<!tpu.dma_semaphore, #tpu.memory_space<semaphore_mem>>)
      %dma_wait3A = arith.constant 0 : i32
      %dma_wait3A_18 = tpu.memref_slice %arg3[%add3A, %dma_wait3A] : memref<32x10000xf32, #tpu.memory_space<hbm>> -> memref<1x10000xf32, #tpu.memory_space<hbm>>
      %dma_wait3A_19 = tpu.memref_squeeze %dma_wait3A_18 : memref<1x10000xf32, #tpu.memory_space<hbm>> -> memref<10000xf32, #tpu.memory_space<hbm>>
      %dma_wait3A_20 = arith.constant 0 : i32
      %dma_wait3A_21 = tpu.memref_slice %arg3[%add3A, %dma_wait3A_20] : memref<32x10000xf32, #tpu.memory_space<hbm>> -> memref<1x10000xf32, #tpu.memory_space<hbm>>
      %dma_wait3A_22 = tpu.memref_squeeze %dma_wait3A_21 : memref<1x10000xf32, #tpu.memory_space<hbm>> -> memref<10000xf32, #tpu.memory_space<hbm>>
      tpu.wait_dma2 semaphore(%run_scoped3A : memref<!tpu.dma_semaphore, #tpu.memory_space<semaphore_mem>>) src(%arg5 : memref<10000xf32, #tpu.memory_space<vmem>>) dst(%dma_wait3A_22 : memref<10000xf32, #tpu.memory_space<hbm>>)
      tpu.yield
    }) : () -> ()
    return
  }
}

#map = affine_map<(d0, d1) -> (0, 0)>
#map1 = affine_map<(d0, d1) -> (0, 0, 0)>
module attributes {stable_mosaic.version = 14 : i64} {
  func.func @_sc_agg(%arg0: i32, %arg1: i32, %arg2: memref<10000x128xf32, #tpu.memory_space<hbm>>, %arg3: memref<32x125x80xi32, #tpu.memory_space<hbm>>, %arg4: memref<32x125x80xi32, #tpu.memory_space<hbm>>, %arg5: memref<624x128xf32, #tpu.memory_space<hbm>>, %arg6: memref<2x10000x128xf32, #tpu.memory_space<hbm>>, %arg7: memref<125x80xi32, #tpu.memory_space<vmem>>, %arg8: memref<125x80xi32, #tpu.memory_space<vmem>>, %arg9: memref<80x128xf32, #tpu.memory_space<vmem>>, %arg10: memref<!tpu.dma_semaphore, #tpu.memory_space<semaphore_mem>>, %arg11: memref<10000x128xf32, #tpu.memory_space<vmem_shared>>) attributes {dimension_semantics = [#tpu.dimension_semantics<core_parallel>, #tpu.dimension_semantics<subcore_parallel>], iteration_bounds = array<i64: 2, 16>, scalar_prefetch = 0 : i64, scratch_operands = 5 : i64, tpu.core_type = #tpu.core_type<sc_vector_subcore>, window_params = [{transform_indices = #map}, {transform_indices = #map1}, {transform_indices = #map1}, {transform_indices = #map}, {transform_indices = #map1}]} {
    %mul3A = arith.constant 2 : i32
    %mul3A_0 = arith.muli %arg1, %mul3A : i32
    %add3A = arith.addi %mul3A_0, %arg0 : i32
    %mul3A_1 = arith.constant 624 : i32
    %mul3A_2 = arith.muli %arg1, %mul3A_1 : i32
    "tpu.region"() ({
      %run_scoped3A = tpu.sem_alloc : memref<!tpu.dma_semaphore, #tpu.memory_space<semaphore_mem>>
      %dma_start3A = arith.constant 0 : i32
      %dma_start3A_20 = tpu.memref_slice %arg11[%mul3A_2, %dma_start3A] : memref<10000x128xf32, #tpu.memory_space<vmem_shared>> -> memref<624x128xf32, #tpu.memory_space<vmem_shared>>
      %dma_start3A_21 = arith.constant 0 : i32
      %dma_start3A_22 = arith.constant 0 : i32
      %dma_start3A_23 = tpu.memref_slice %arg5[%dma_start3A_21, %dma_start3A_22] : memref<624x128xf32, #tpu.memory_space<hbm>> -> memref<624x128xf32, #tpu.memory_space<hbm>>
      tpu.enqueue_dma source(%dma_start3A_23 : memref<624x128xf32, #tpu.memory_space<hbm>>) target(%dma_start3A_20 : memref<624x128xf32, #tpu.memory_space<vmem_shared>>) target_semaphore(%run_scoped3A : memref<!tpu.dma_semaphore, #tpu.memory_space<semaphore_mem>>)
      %dma_wait3A = arith.constant 0 : i32
      %dma_wait3A_24 = tpu.memref_slice %arg11[%mul3A_2, %dma_wait3A] : memref<10000x128xf32, #tpu.memory_space<vmem_shared>> -> memref<624x128xf32, #tpu.memory_space<vmem_shared>>
      %dma_wait3A_25 = arith.constant 0 : i32
      %dma_wait3A_26 = arith.constant 0 : i32
      %dma_wait3A_27 = tpu.memref_slice %arg5[%dma_wait3A_25, %dma_wait3A_26] : memref<624x128xf32, #tpu.memory_space<hbm>> -> memref<624x128xf32, #tpu.memory_space<hbm>>
      tpu.wait_dma2 semaphore(%run_scoped3A : memref<!tpu.dma_semaphore, #tpu.memory_space<semaphore_mem>>) src(%dma_wait3A_27 : memref<624x128xf32, #tpu.memory_space<hbm>>) dst(%dma_wait3A_24 : memref<624x128xf32, #tpu.memory_space<vmem_shared>>)
      tpu.yield
    }) : () -> ()
    %eq3A = arith.constant 0 : i32
    %eq3A_3 = arith.cmpi eq, %arg1, %eq3A : i32
    %convert_element_type3A = arith.extui %eq3A_3 : i1 to i32
    %cond3A = arith.constant 0 : i32
    %cond3A_4 = arith.cmpi ne, %convert_element_type3A, %cond3A : i32
    scf.if %cond3A_4 {
      "tpu.region"() ({
        %run_scoped3A = tpu.sem_alloc : memref<!tpu.dma_semaphore, #tpu.memory_space<semaphore_mem>>
        %dma_start3A = arith.constant 9984 : i32
        %dma_start3A_20 = arith.constant 0 : i32
        %dma_start3A_21 = tpu.memref_slice %arg11[%dma_start3A, %dma_start3A_20] : memref<10000x128xf32, #tpu.memory_space<vmem_shared>> -> memref<16x128xf32, #tpu.memory_space<vmem_shared>>
        %dma_start3A_22 = arith.constant 0 : i32
        %dma_start3A_23 = arith.constant 0 : i32
        %dma_start3A_24 = tpu.memref_slice %arg5[%dma_start3A_22, %dma_start3A_23] : memref<624x128xf32, #tpu.memory_space<hbm>> -> memref<16x128xf32, #tpu.memory_space<hbm>>
        tpu.enqueue_dma source(%dma_start3A_24 : memref<16x128xf32, #tpu.memory_space<hbm>>) target(%dma_start3A_21 : memref<16x128xf32, #tpu.memory_space<vmem_shared>>) target_semaphore(%run_scoped3A : memref<!tpu.dma_semaphore, #tpu.memory_space<semaphore_mem>>)
        %dma_wait3A = arith.constant 9984 : i32
        %dma_wait3A_25 = arith.constant 0 : i32
        %dma_wait3A_26 = tpu.memref_slice %arg11[%dma_wait3A, %dma_wait3A_25] : memref<10000x128xf32, #tpu.memory_space<vmem_shared>> -> memref<16x128xf32, #tpu.memory_space<vmem_shared>>
        %dma_wait3A_27 = arith.constant 0 : i32
        %dma_wait3A_28 = arith.constant 0 : i32
        %dma_wait3A_29 = tpu.memref_slice %arg5[%dma_wait3A_27, %dma_wait3A_28] : memref<624x128xf32, #tpu.memory_space<hbm>> -> memref<16x128xf32, #tpu.memory_space<hbm>>
        tpu.wait_dma2 semaphore(%run_scoped3A : memref<!tpu.dma_semaphore, #tpu.memory_space<semaphore_mem>>) src(%dma_wait3A_29 : memref<16x128xf32, #tpu.memory_space<hbm>>) dst(%dma_wait3A_26 : memref<16x128xf32, #tpu.memory_space<vmem_shared>>)
        tpu.yield
      }) : () -> ()
    } else {
    }
    "tpu.region"() ({
      %run_scoped3A = tpu.sem_alloc : memref<!tpu.dma_semaphore, #tpu.memory_space<semaphore_mem>>
      %dma_start3A = arith.constant 0 : i32
      %dma_start3A_20 = arith.constant 0 : i32
      %dma_start3A_21 = tpu.memref_slice %arg3[%add3A, %dma_start3A, %dma_start3A_20] : memref<32x125x80xi32, #tpu.memory_space<hbm>> -> memref<1x125x80xi32, #tpu.memory_space<hbm>>
      %dma_start3A_22 = tpu.memref_squeeze %dma_start3A_21 : memref<1x125x80xi32, #tpu.memory_space<hbm>> -> memref<125x80xi32, #tpu.memory_space<hbm>>
      %dma_start3A_23 = arith.constant 0 : i32
      %dma_start3A_24 = arith.constant 0 : i32
      %dma_start3A_25 = tpu.memref_slice %arg3[%add3A, %dma_start3A_23, %dma_start3A_24] : memref<32x125x80xi32, #tpu.memory_space<hbm>> -> memref<1x125x80xi32, #tpu.memory_space<hbm>>
      %dma_start3A_26 = tpu.memref_squeeze %dma_start3A_25 : memref<1x125x80xi32, #tpu.memory_space<hbm>> -> memref<125x80xi32, #tpu.memory_space<hbm>>
      tpu.enqueue_dma source(%dma_start3A_26 : memref<125x80xi32, #tpu.memory_space<hbm>>) target(%arg7 : memref<125x80xi32, #tpu.memory_space<vmem>>) target_semaphore(%run_scoped3A : memref<!tpu.dma_semaphore, #tpu.memory_space<semaphore_mem>>)
      %dma_wait3A = arith.constant 0 : i32
      %dma_wait3A_27 = arith.constant 0 : i32
      %dma_wait3A_28 = tpu.memref_slice %arg3[%add3A, %dma_wait3A, %dma_wait3A_27] : memref<32x125x80xi32, #tpu.memory_space<hbm>> -> memref<1x125x80xi32, #tpu.memory_space<hbm>>
      %dma_wait3A_29 = tpu.memref_squeeze %dma_wait3A_28 : memref<1x125x80xi32, #tpu.memory_space<hbm>> -> memref<125x80xi32, #tpu.memory_space<hbm>>
      %dma_wait3A_30 = arith.constant 0 : i32
      %dma_wait3A_31 = arith.constant 0 : i32
      %dma_wait3A_32 = tpu.memref_slice %arg3[%add3A, %dma_wait3A_30, %dma_wait3A_31] : memref<32x125x80xi32, #tpu.memory_space<hbm>> -> memref<1x125x80xi32, #tpu.memory_space<hbm>>
      %dma_wait3A_33 = tpu.memref_squeeze %dma_wait3A_32 : memref<1x125x80xi32, #tpu.memory_space<hbm>> -> memref<125x80xi32, #tpu.memory_space<hbm>>
      tpu.wait_dma2 semaphore(%run_scoped3A : memref<!tpu.dma_semaphore, #tpu.memory_space<semaphore_mem>>) src(%dma_wait3A_33 : memref<125x80xi32, #tpu.memory_space<hbm>>) dst(%arg7 : memref<125x80xi32, #tpu.memory_space<vmem>>)
      tpu.yield
    }) : () -> ()
    "tpu.region"() ({
      %run_scoped3A = tpu.sem_alloc : memref<!tpu.dma_semaphore, #tpu.memory_space<semaphore_mem>>
      %dma_start3A = arith.constant 0 : i32
      %dma_start3A_20 = arith.constant 0 : i32
      %dma_start3A_21 = tpu.memref_slice %arg4[%add3A, %dma_start3A, %dma_start3A_20] : memref<32x125x80xi32, #tpu.memory_space<hbm>> -> memref<1x125x80xi32, #tpu.memory_space<hbm>>
      %dma_start3A_22 = tpu.memref_squeeze %dma_start3A_21 : memref<1x125x80xi32, #tpu.memory_space<hbm>> -> memref<125x80xi32, #tpu.memory_space<hbm>>
      %dma_start3A_23 = arith.constant 0 : i32
      %dma_start3A_24 = arith.constant 0 : i32
      %dma_start3A_25 = tpu.memref_slice %arg4[%add3A, %dma_start3A_23, %dma_start3A_24] : memref<32x125x80xi32, #tpu.memory_space<hbm>> -> memref<1x125x80xi32, #tpu.memory_space<hbm>>
      %dma_start3A_26 = tpu.memref_squeeze %dma_start3A_25 : memref<1x125x80xi32, #tpu.memory_space<hbm>> -> memref<125x80xi32, #tpu.memory_space<hbm>>
      tpu.enqueue_dma source(%dma_start3A_26 : memref<125x80xi32, #tpu.memory_space<hbm>>) target(%arg8 : memref<125x80xi32, #tpu.memory_space<vmem>>) target_semaphore(%run_scoped3A : memref<!tpu.dma_semaphore, #tpu.memory_space<semaphore_mem>>)
      %dma_wait3A = arith.constant 0 : i32
      %dma_wait3A_27 = arith.constant 0 : i32
      %dma_wait3A_28 = tpu.memref_slice %arg4[%add3A, %dma_wait3A, %dma_wait3A_27] : memref<32x125x80xi32, #tpu.memory_space<hbm>> -> memref<1x125x80xi32, #tpu.memory_space<hbm>>
      %dma_wait3A_29 = tpu.memref_squeeze %dma_wait3A_28 : memref<1x125x80xi32, #tpu.memory_space<hbm>> -> memref<125x80xi32, #tpu.memory_space<hbm>>
      %dma_wait3A_30 = arith.constant 0 : i32
      %dma_wait3A_31 = arith.constant 0 : i32
      %dma_wait3A_32 = tpu.memref_slice %arg4[%add3A, %dma_wait3A_30, %dma_wait3A_31] : memref<32x125x80xi32, #tpu.memory_space<hbm>> -> memref<1x125x80xi32, #tpu.memory_space<hbm>>
      %dma_wait3A_33 = tpu.memref_squeeze %dma_wait3A_32 : memref<1x125x80xi32, #tpu.memory_space<hbm>> -> memref<125x80xi32, #tpu.memory_space<hbm>>
      tpu.wait_dma2 semaphore(%run_scoped3A : memref<!tpu.dma_semaphore, #tpu.memory_space<semaphore_mem>>) src(%dma_wait3A_33 : memref<125x80xi32, #tpu.memory_space<hbm>>) dst(%arg8 : memref<125x80xi32, #tpu.memory_space<vmem>>)
      tpu.yield
    }) : () -> ()
    %barrier3A = arith.constant 0 : index
    tpu.barrier barrier_id(%barrier3A)
    %scan3A = arith.constant 0 : i32
    %scan3A_5 = arith.constant 0 : i32
    %scan3A_6 = arith.constant 125 : i32
    %scan3A_7 = arith.addi %scan3A_5, %scan3A_6 : i32
    %scan3A_8 = arith.constant 1 : i32
    scf.for %scan3A_20 = %scan3A_5 to %scan3A_7 step %scan3A_8  : i32 {
      %dma_start3A = arith.constant 0 : i32
      %dma_start3A_21 = tpu.memref_slice %arg7[%scan3A_20, %dma_start3A] : memref<125x80xi32, #tpu.memory_space<vmem>> -> memref<1x80xi32, #tpu.memory_space<vmem>>
      %dma_start3A_22 = tpu.memref_squeeze %dma_start3A_21 : memref<1x80xi32, #tpu.memory_space<vmem>> -> memref<80xi32, #tpu.memory_space<vmem>>
      %dma_start3A_23 = arith.constant 0 : i32
      %dma_start3A_24 = arith.constant 0 : i32
      %dma_start3A_25 = tpu.memref_slice %arg2[%dma_start3A_23, %dma_start3A_24] : memref<10000x128xf32, #tpu.memory_space<hbm>> -> memref<10000x128xf32, #tpu.memory_space<hbm>>
      tpu.enqueue_indirect_dma source(%dma_start3A_25 : memref<10000x128xf32, #tpu.memory_space<hbm>>) target(%arg9 : memref<80x128xf32, #tpu.memory_space<vmem>>) offsets(%dma_start3A_22 : memref<80xi32, #tpu.memory_space<vmem>>) semaphore(%arg10 : memref<!tpu.dma_semaphore, #tpu.memory_space<semaphore_mem>>)
      %dma_wait3A = arith.constant 0 : i32
      %dma_wait3A_26 = tpu.memref_slice %arg7[%scan3A_20, %dma_wait3A] : memref<125x80xi32, #tpu.memory_space<vmem>> -> memref<1x80xi32, #tpu.memory_space<vmem>>
      %dma_wait3A_27 = tpu.memref_squeeze %dma_wait3A_26 : memref<1x80xi32, #tpu.memory_space<vmem>> -> memref<80xi32, #tpu.memory_space<vmem>>
      %dma_wait3A_28 = arith.constant 0 : i32
      %dma_wait3A_29 = arith.constant 0 : i32
      %dma_wait3A_30 = tpu.memref_slice %arg2[%dma_wait3A_28, %dma_wait3A_29] : memref<10000x128xf32, #tpu.memory_space<hbm>> -> memref<10000x128xf32, #tpu.memory_space<hbm>>
      tpu.wait_indirect_dma semaphore(%arg10 : memref<!tpu.dma_semaphore, #tpu.memory_space<semaphore_mem>>) src(%dma_wait3A_30 : memref<10000x128xf32, #tpu.memory_space<hbm>>) dst(%arg9 : memref<80x128xf32, #tpu.memory_space<vmem>>)
      "tpu.region"() ({
        %run_scoped3A = tpu.sem_alloc : memref<!tpu.dma_semaphore, #tpu.memory_space<semaphore_mem>>
        %dma_start3A_31 = arith.constant 0 : i32
        %dma_start3A_32 = tpu.memref_slice %arg8[%scan3A_20, %dma_start3A_31] : memref<125x80xi32, #tpu.memory_space<vmem>> -> memref<1x80xi32, #tpu.memory_space<vmem>>
        %dma_start3A_33 = tpu.memref_squeeze %dma_start3A_32 : memref<1x80xi32, #tpu.memory_space<vmem>> -> memref<80xi32, #tpu.memory_space<vmem>>
        %dma_start3A_34 = arith.constant 0 : i32
        %dma_start3A_35 = arith.constant 0 : i32
        %dma_start3A_36 = tpu.memref_slice %arg11[%dma_start3A_34, %dma_start3A_35] : memref<10000x128xf32, #tpu.memory_space<vmem_shared>> -> memref<10000x128xf32, #tpu.memory_space<vmem_shared>>
        tpu.enqueue_indirect_dma source(%arg9 : memref<80x128xf32, #tpu.memory_space<vmem>>) target(%dma_start3A_36 : memref<10000x128xf32, #tpu.memory_space<vmem_shared>>) offsets(%dma_start3A_33 : memref<80xi32, #tpu.memory_space<vmem>>) semaphore(%run_scoped3A : memref<!tpu.dma_semaphore, #tpu.memory_space<semaphore_mem>>) {add = true}
        %dma_wait3A_37 = arith.constant 0 : i32
        %dma_wait3A_38 = tpu.memref_slice %arg8[%scan3A_20, %dma_wait3A_37] : memref<125x80xi32, #tpu.memory_space<vmem>> -> memref<1x80xi32, #tpu.memory_space<vmem>>
        %dma_wait3A_39 = tpu.memref_squeeze %dma_wait3A_38 : memref<1x80xi32, #tpu.memory_space<vmem>> -> memref<80xi32, #tpu.memory_space<vmem>>
        %dma_wait3A_40 = arith.constant 0 : i32
        %dma_wait3A_41 = arith.constant 0 : i32
        %dma_wait3A_42 = tpu.memref_slice %arg11[%dma_wait3A_40, %dma_wait3A_41] : memref<10000x128xf32, #tpu.memory_space<vmem_shared>> -> memref<10000x128xf32, #tpu.memory_space<vmem_shared>>
        tpu.wait_indirect_dma semaphore(%run_scoped3A : memref<!tpu.dma_semaphore, #tpu.memory_space<semaphore_mem>>) src(%arg9 : memref<80x128xf32, #tpu.memory_space<vmem>>) dst(%dma_wait3A_42 : memref<10000x128xf32, #tpu.memory_space<vmem_shared>>)
        tpu.yield
      }) : () -> ()
    }
    %scan3A_9 = arith.constant 125 : i32
    %barrier3A_10 = arith.constant 0 : index
    tpu.barrier barrier_id(%barrier3A_10)
    %mul3A_11 = arith.constant 624 : i32
    %mul3A_12 = arith.muli %arg1, %mul3A_11 : i32
    %mul3A_13 = arith.constant 624 : i32
    %mul3A_14 = arith.muli %arg1, %mul3A_13 : i32
    "tpu.region"() ({
      %run_scoped3A = tpu.sem_alloc : memref<!tpu.dma_semaphore, #tpu.memory_space<semaphore_mem>>
      %dma_start3A = arith.constant 0 : i32
      %dma_start3A_20 = tpu.memref_slice %arg6[%arg0, %mul3A_14, %dma_start3A] : memref<2x10000x128xf32, #tpu.memory_space<hbm>> -> memref<1x624x128xf32, #tpu.memory_space<hbm>>
      %dma_start3A_21 = tpu.memref_squeeze %dma_start3A_20 : memref<1x624x128xf32, #tpu.memory_space<hbm>> -> memref<624x128xf32, #tpu.memory_space<hbm>>
      %dma_start3A_22 = arith.constant 0 : i32
      %dma_start3A_23 = tpu.memref_slice %arg11[%mul3A_12, %dma_start3A_22] : memref<10000x128xf32, #tpu.memory_space<vmem_shared>> -> memref<624x128xf32, #tpu.memory_space<vmem_shared>>
      tpu.enqueue_dma source(%dma_start3A_23 : memref<624x128xf32, #tpu.memory_space<vmem_shared>>) target(%dma_start3A_21 : memref<624x128xf32, #tpu.memory_space<hbm>>) target_semaphore(%run_scoped3A : memref<!tpu.dma_semaphore, #tpu.memory_space<semaphore_mem>>)
      %dma_wait3A = arith.constant 0 : i32
      %dma_wait3A_24 = tpu.memref_slice %arg6[%arg0, %mul3A_14, %dma_wait3A] : memref<2x10000x128xf32, #tpu.memory_space<hbm>> -> memref<1x624x128xf32, #tpu.memory_space<hbm>>
      %dma_wait3A_25 = tpu.memref_squeeze %dma_wait3A_24 : memref<1x624x128xf32, #tpu.memory_space<hbm>> -> memref<624x128xf32, #tpu.memory_space<hbm>>
      %dma_wait3A_26 = arith.constant 0 : i32
      %dma_wait3A_27 = tpu.memref_slice %arg11[%mul3A_12, %dma_wait3A_26] : memref<10000x128xf32, #tpu.memory_space<vmem_shared>> -> memref<624x128xf32, #tpu.memory_space<vmem_shared>>
      tpu.wait_dma2 semaphore(%run_scoped3A : memref<!tpu.dma_semaphore, #tpu.memory_space<semaphore_mem>>) src(%dma_wait3A_27 : memref<624x128xf32, #tpu.memory_space<vmem_shared>>) dst(%dma_wait3A_25 : memref<624x128xf32, #tpu.memory_space<hbm>>)
      tpu.yield
    }) : () -> ()
    %eq3A_15 = arith.constant 0 : i32
    %eq3A_16 = arith.cmpi eq, %arg1, %eq3A_15 : i32
    %convert_element_type3A_17 = arith.extui %eq3A_16 : i1 to i32
    %cond3A_18 = arith.constant 0 : i32
    %cond3A_19 = arith.cmpi ne, %convert_element_type3A_17, %cond3A_18 : i32
    scf.if %cond3A_19 {
      "tpu.region"() ({
        %run_scoped3A = tpu.sem_alloc : memref<!tpu.dma_semaphore, #tpu.memory_space<semaphore_mem>>
        %dma_start3A = arith.constant 9984 : i32
        %dma_start3A_20 = arith.constant 0 : i32
        %dma_start3A_21 = tpu.memref_slice %arg6[%arg0, %dma_start3A, %dma_start3A_20] : memref<2x10000x128xf32, #tpu.memory_space<hbm>> -> memref<1x16x128xf32, #tpu.memory_space<hbm>>
        %dma_start3A_22 = tpu.memref_squeeze %dma_start3A_21 : memref<1x16x128xf32, #tpu.memory_space<hbm>> -> memref<16x128xf32, #tpu.memory_space<hbm>>
        %dma_start3A_23 = arith.constant 9984 : i32
        %dma_start3A_24 = arith.constant 0 : i32
        %dma_start3A_25 = tpu.memref_slice %arg11[%dma_start3A_23, %dma_start3A_24] : memref<10000x128xf32, #tpu.memory_space<vmem_shared>> -> memref<16x128xf32, #tpu.memory_space<vmem_shared>>
        tpu.enqueue_dma source(%dma_start3A_25 : memref<16x128xf32, #tpu.memory_space<vmem_shared>>) target(%dma_start3A_22 : memref<16x128xf32, #tpu.memory_space<hbm>>) target_semaphore(%run_scoped3A : memref<!tpu.dma_semaphore, #tpu.memory_space<semaphore_mem>>)
        %dma_wait3A = arith.constant 9984 : i32
        %dma_wait3A_26 = arith.constant 0 : i32
        %dma_wait3A_27 = tpu.memref_slice %arg6[%arg0, %dma_wait3A, %dma_wait3A_26] : memref<2x10000x128xf32, #tpu.memory_space<hbm>> -> memref<1x16x128xf32, #tpu.memory_space<hbm>>
        %dma_wait3A_28 = tpu.memref_squeeze %dma_wait3A_27 : memref<1x16x128xf32, #tpu.memory_space<hbm>> -> memref<16x128xf32, #tpu.memory_space<hbm>>
        %dma_wait3A_29 = arith.constant 9984 : i32
        %dma_wait3A_30 = arith.constant 0 : i32
        %dma_wait3A_31 = tpu.memref_slice %arg11[%dma_wait3A_29, %dma_wait3A_30] : memref<10000x128xf32, #tpu.memory_space<vmem_shared>> -> memref<16x128xf32, #tpu.memory_space<vmem_shared>>
        tpu.wait_dma2 semaphore(%run_scoped3A : memref<!tpu.dma_semaphore, #tpu.memory_space<semaphore_mem>>) src(%dma_wait3A_31 : memref<16x128xf32, #tpu.memory_space<vmem_shared>>) dst(%dma_wait3A_28 : memref<16x128xf32, #tpu.memory_space<hbm>>)
        tpu.yield
      }) : () -> ()
    } else {
    }
    return
  }
}

module attributes {stable_mosaic.version = 14 : i64} {
  func.func @_tc0_body(%arg0: i32, %arg1: memref<1x32x1000xf32, #tpu.memory_space<vmem>>, %arg2: memref<1000x128xf32, #tpu.memory_space<vmem>>, %arg3: memref<128x128xf32, #tpu.memory_space<vmem>>, %arg4: memref<1000x1xf32, #tpu.memory_space<vmem>>, %arg5: memref<1000x128xf32, #tpu.memory_space<vmem>>) attributes {dimension_semantics = [#tpu.dimension_semantics<arbitrary>], iteration_bounds = array<i64: 10>, scalar_prefetch = 0 : i64, scratch_operands = 0 : i64, tpu.core_type = #tpu.core_type<tc>, window_params = [{transform_indices = @transform_0, window_bounds = array<i64: 1, 32, 1000>}, {transform_indices = @transform_1, window_bounds = array<i64: 1000, 128>}, {pipeline_mode = #tpu.pipeline_mode<synchronous>, transform_indices = @transform_2, window_bounds = array<i64: 128, 128>}, {transform_indices = @transform_3, window_bounds = array<i64: 1000, 1>}, {transform_indices = @transform_4, window_bounds = array<i64: 1000, 128>}]} {
    %get3A = arith.constant 0 : index
    %get3A_0 = arith.constant 0 : index
    %get3A_1 = arith.constant 0 : index
    %get3A_2 = vector.load %arg1[%get3A, %get3A_0, %get3A_1] : memref<1x32x1000xf32, #tpu.memory_space<vmem>>, vector<1x32x1000xf32>
    %get3A_3 = vector.shape_cast %get3A_2 : vector<1x32x1000xf32> to vector<32x1000xf32>
    %reduce_sum3A = arith.constant dense<0.000000e+00> : vector<1000xf32>
    %reduce_sum3A_4 = vector.multi_reduction <add>, %get3A_3, %reduce_sum3A [0] : vector<32x1000xf32> to vector<1000xf32>
    %add3A = arith.constant 1.000000e+00 : f32
    %add3A_5 = vector.broadcast %add3A : f32 to vector<1000xf32>
    %add3A_6 = arith.addf %reduce_sum3A_4, %add3A_5 : vector<1000xf32>
    %rsqrt3A = math.rsqrt %add3A_6 : vector<1000xf32>
    %get3A_7 = arith.constant 0 : index
    %get3A_8 = arith.constant 0 : index
    %get3A_9 = vector.load %arg2[%get3A_7, %get3A_8] : memref<1000x128xf32, #tpu.memory_space<vmem>>, vector<1000x128xf32>
    %get3A_10 = arith.constant 0 : index
    %get3A_11 = arith.constant 0 : index
    %get3A_12 = vector.load %arg3[%get3A_10, %get3A_11] : memref<128x128xf32, #tpu.memory_space<vmem>>, vector<128x128xf32>
    %dot_general3A = arith.constant dense<0.000000e+00> : vector<1000x128xf32>
    %dot_general3A_13 = tpu.matmul %get3A_9, %get3A_12, %dot_general3A {dimension_numbers = #tpu.dot_dimension_numbers<[1], [0], [0], [1], [0, 0, 1, 1], [], []>, transpose_lhs_hint = false} : vector<1000x128xf32>, vector<128x128xf32>, vector<1000x128xf32> -> vector<1000x128xf32>
    %broadcast_in_dim3A = vector.shape_cast %rsqrt3A : vector<1000xf32> to vector<1000x1xf32>
    %mul3A = vector.broadcast %broadcast_in_dim3A : vector<1000x1xf32> to vector<1000x128xf32>
    %mul3A_14 = arith.mulf %dot_general3A_13, %mul3A : vector<1000x128xf32>
    %swap3A = arith.constant 0 : index
    %swap3A_15 = arith.constant 0 : index
    %swap3A_16 = vector.load %arg5[%swap3A, %swap3A_15] : memref<1000x128xf32, #tpu.memory_space<vmem>>, vector<1000x128xf32>
    tpu.vector_store %arg5[%swap3A, %swap3A_15], %mul3A_14 {strides = array<i32>} : memref<1000x128xf32, #tpu.memory_space<vmem>>, vector<1000x128xf32>,
    %broadcast_in_dim3A_17 = vector.shape_cast %rsqrt3A : vector<1000xf32> to vector<1000x1xf32>
    %swap3A_18 = arith.constant 0 : index
    %swap3A_19 = arith.constant 0 : index
    %swap3A_20 = vector.load %arg4[%swap3A_18, %swap3A_19] : memref<1000x1xf32, #tpu.memory_space<vmem>>, vector<1000x1xf32>
    tpu.vector_store %arg4[%swap3A_18, %swap3A_19], %broadcast_in_dim3A_17 {strides = array<i32>} : memref<1000x1xf32, #tpu.memory_space<vmem>>, vector<1000x1xf32>,
    return
  }
  func.func @transform_0(%arg0: i32) -> (i32, i32, i32) {
    %c0_i32 = arith.constant 0 : i32
    %c0_i32_0 = arith.constant 0 : i32
    %c0_i32_1 = arith.constant 0 : i32
    return %arg0, %c0_i32, %c0_i32_0 : i32, i32, i32
  }
  func.func @transform_1(%arg0: i32) -> (i32, i32) {
    %c0_i32 = arith.constant 0 : i32
    %c0_i32_0 = arith.constant 0 : i32
    return %arg0, %c0_i32 : i32, i32
  }
  func.func @transform_2(%arg0: i32) -> (i32, i32) {
    %c0_i32 = arith.constant 0 : i32
    %c0_i32_0 = arith.constant 0 : i32
    %c0_i32_1 = arith.constant 0 : i32
    return %c0_i32, %c0_i32_0 : i32, i32
  }
  func.func @transform_3(%arg0: i32) -> (i32, i32) {
    %c0_i32 = arith.constant 0 : i32
    %c0_i32_0 = arith.constant 0 : i32
    return %arg0, %c0_i32 : i32, i32
  }
  func.func @transform_4(%arg0: i32) -> (i32, i32) {
    %c0_i32 = arith.constant 0 : i32
    %c0_i32_0 = arith.constant 0 : i32
    return %arg0, %c0_i32 : i32, i32
  }
}

module attributes {stable_mosaic.version = 14 : i64} {
  func.func @_tc_mid_body(%arg0: i32, %arg1: memref<2x1000x128xf32, #tpu.memory_space<vmem>>, %arg2: memref<1000x128xf32, #tpu.memory_space<vmem>>, %arg3: memref<1000x1xf32, #tpu.memory_space<vmem>>, %arg4: memref<1x128xf32, #tpu.memory_space<vmem>>, %arg5: memref<128x128xf32, #tpu.memory_space<vmem>>, %arg6: memref<1000x128xf32, #tpu.memory_space<vmem>>) attributes {dimension_semantics = [#tpu.dimension_semantics<arbitrary>], iteration_bounds = array<i64: 10>, scalar_prefetch = 0 : i64, scratch_operands = 0 : i64, tpu.core_type = #tpu.core_type<tc>, window_params = [{transform_indices = @transform_0, window_bounds = array<i64: 2, 1000, 128>}, {transform_indices = @transform_1, window_bounds = array<i64: 1000, 128>}, {transform_indices = @transform_2, window_bounds = array<i64: 1000, 1>}, {pipeline_mode = #tpu.pipeline_mode<synchronous>, transform_indices = @transform_3, window_bounds = array<i64: 1, 128>}, {pipeline_mode = #tpu.pipeline_mode<synchronous>, transform_indices = @transform_4, window_bounds = array<i64: 128, 128>}, {transform_indices = @transform_5, window_bounds = array<i64: 1000, 128>}]} {
    %get3A = arith.constant 0 : index
    %get3A_0 = arith.constant 0 : index
    %get3A_1 = vector.load %arg3[%get3A, %get3A_0] : memref<1000x1xf32, #tpu.memory_space<vmem>>, vector<1000x1xf32>
    %get3A_2 = arith.constant 0 : index
    %get3A_3 = arith.constant 0 : index
    %get3A_4 = arith.constant 0 : index
    %get3A_5 = vector.load %arg1[%get3A_2, %get3A_3, %get3A_4] : memref<2x1000x128xf32, #tpu.memory_space<vmem>>, vector<1x1000x128xf32>
    %get3A_6 = vector.shape_cast %get3A_5 : vector<1x1000x128xf32> to vector<1000x128xf32>
    %get3A_7 = arith.constant 1 : index
    %get3A_8 = arith.constant 0 : index
    %get3A_9 = arith.constant 0 : index
    %get3A_10 = vector.load %arg1[%get3A_7, %get3A_8, %get3A_9] : memref<2x1000x128xf32, #tpu.memory_space<vmem>>, vector<1x1000x128xf32>
    %get3A_11 = vector.shape_cast %get3A_10 : vector<1x1000x128xf32> to vector<1000x128xf32>
    %add3A = arith.addf %get3A_6, %get3A_11 : vector<1000x128xf32>
    %get3A_12 = arith.constant 0 : index
    %get3A_13 = arith.constant 0 : index
    %get3A_14 = vector.load %arg2[%get3A_12, %get3A_13] : memref<1000x128xf32, #tpu.memory_space<vmem>>, vector<1000x128xf32>
    %add3A_15 = arith.addf %add3A, %get3A_14 : vector<1000x128xf32>
    %mul3A = vector.broadcast %get3A_1 : vector<1000x1xf32> to vector<1000x128xf32>
    %mul3A_16 = arith.mulf %add3A_15, %mul3A : vector<1000x128xf32>
    %get3A_17 = arith.constant 0 : index
    %get3A_18 = arith.constant 0 : index
    %get3A_19 = vector.load %arg4[%get3A_17, %get3A_18] : memref<1x128xf32, #tpu.memory_space<vmem>>, vector<1x128xf32>
    %add3A_20 = vector.broadcast %get3A_19 : vector<1x128xf32> to vector<1000x128xf32>
    %add3A_21 = arith.addf %mul3A_16, %add3A_20 : vector<1000x128xf32>
    %max3A = arith.constant 0.000000e+00 : f32
    %max3A_22 = vector.broadcast %max3A : f32 to vector<1000x128xf32>
    %max3A_23 = arith.maximumf %add3A_21, %max3A_22 : vector<1000x128xf32>
    %get3A_24 = arith.constant 0 : index
    %get3A_25 = arith.constant 0 : index
    %get3A_26 = vector.load %arg5[%get3A_24, %get3A_25] : memref<128x128xf32, #tpu.memory_space<vmem>>, vector<128x128xf32>
    %dot_general3A = arith.constant dense<0.000000e+00> : vector<1000x128xf32>
    %dot_general3A_27 = tpu.matmul %max3A_23, %get3A_26, %dot_general3A {dimension_numbers = #tpu.dot_dimension_numbers<[1], [0], [0], [1], [0, 0, 1, 1], [], []>, transpose_lhs_hint = false} : vector<1000x128xf32>, vector<128x128xf32>, vector<1000x128xf32> -> vector<1000x128xf32>
    %mul3A_28 = vector.broadcast %get3A_1 : vector<1000x1xf32> to vector<1000x128xf32>
    %mul3A_29 = arith.mulf %dot_general3A_27, %mul3A_28 : vector<1000x128xf32>
    %swap3A = arith.constant 0 : index
    %swap3A_30 = arith.constant 0 : index
    %swap3A_31 = vector.load %arg6[%swap3A, %swap3A_30] : memref<1000x128xf32, #tpu.memory_space<vmem>>, vector<1000x128xf32>
    tpu.vector_store %arg6[%swap3A, %swap3A_30], %mul3A_29 {strides = array<i32>} : memref<1000x128xf32, #tpu.memory_space<vmem>>, vector<1000x128xf32>,
    return
  }
  func.func @transform_0(%arg0: i32) -> (i32, i32, i32) {
    %c0_i32 = arith.constant 0 : i32
    %c0_i32_0 = arith.constant 0 : i32
    %c0_i32_1 = arith.constant 0 : i32
    return %c0_i32, %arg0, %c0_i32_0 : i32, i32, i32
  }
  func.func @transform_1(%arg0: i32) -> (i32, i32) {
    %c0_i32 = arith.constant 0 : i32
    %c0_i32_0 = arith.constant 0 : i32
    return %arg0, %c0_i32 : i32, i32
  }
  func.func @transform_2(%arg0: i32) -> (i32, i32) {
    %c0_i32 = arith.constant 0 : i32
    %c0_i32_0 = arith.constant 0 : i32
    return %arg0, %c0_i32 : i32, i32
  }
  func.func @transform_3(%arg0: i32) -> (i32, i32) {
    %c0_i32 = arith.constant 0 : i32
    %c0_i32_0 = arith.constant 0 : i32
    %c0_i32_1 = arith.constant 0 : i32
    return %c0_i32, %c0_i32_0 : i32, i32
  }
  func.func @transform_4(%arg0: i32) -> (i32, i32) {
    %c0_i32 = arith.constant 0 : i32
    %c0_i32_0 = arith.constant 0 : i32
    %c0_i32_1 = arith.constant 0 : i32
    return %c0_i32, %c0_i32_0 : i32, i32
  }
  func.func @transform_5(%arg0: i32) -> (i32, i32) {
    %c0_i32 = arith.constant 0 : i32
    %c0_i32_0 = arith.constant 0 : i32
    return %arg0, %c0_i32 : i32, i32
  }
}

module attributes {stable_mosaic.version = 14 : i64} {
  func.func @_tc_pool_body(%arg0: i32, %arg1: memref<2x1000x128xf32, #tpu.memory_space<vmem>>, %arg2: memref<1000x128xf32, #tpu.memory_space<vmem>>, %arg3: memref<1000x1xf32, #tpu.memory_space<vmem>>, %arg4: memref<1x128xf32, #tpu.memory_space<vmem>>, %arg5: memref<1x1x1000xi32, #tpu.memory_space<vmem>>, %arg6: memref<64x128xf32, #tpu.memory_space<vmem>>, %arg7: memref<64x1xf32, #tpu.memory_space<vmem>>) attributes {dimension_semantics = [#tpu.dimension_semantics<arbitrary>], iteration_bounds = array<i64: 10>, scalar_prefetch = 0 : i64, scratch_operands = 0 : i64, tpu.core_type = #tpu.core_type<tc>, window_params = [{transform_indices = @transform_0, window_bounds = array<i64: 2, 1000, 128>}, {transform_indices = @transform_1, window_bounds = array<i64: 1000, 128>}, {transform_indices = @transform_2, window_bounds = array<i64: 1000, 1>}, {pipeline_mode = #tpu.pipeline_mode<synchronous>, transform_indices = @transform_3, window_bounds = array<i64: 1, 128>}, {transform_indices = @transform_4, window_bounds = array<i64: 1, 1, 1000>}, {pipeline_mode = #tpu.pipeline_mode<synchronous>, transform_indices = @transform_5, window_bounds = array<i64: 64, 128>}, {pipeline_mode = #tpu.pipeline_mode<synchronous>, transform_indices = @transform_6, window_bounds = array<i64: 64, 1>}]} {
    %get3A = arith.constant 0 : index
    %get3A_0 = arith.constant 0 : index
    %get3A_1 = arith.constant 0 : index
    %get3A_2 = vector.load %arg1[%get3A, %get3A_0, %get3A_1] : memref<2x1000x128xf32, #tpu.memory_space<vmem>>, vector<1x1000x128xf32>
    %get3A_3 = vector.shape_cast %get3A_2 : vector<1x1000x128xf32> to vector<1000x128xf32>
    %get3A_4 = arith.constant 1 : index
    %get3A_5 = arith.constant 0 : index
    %get3A_6 = arith.constant 0 : index
    %get3A_7 = vector.load %arg1[%get3A_4, %get3A_5, %get3A_6] : memref<2x1000x128xf32, #tpu.memory_space<vmem>>, vector<1x1000x128xf32>
    %get3A_8 = vector.shape_cast %get3A_7 : vector<1x1000x128xf32> to vector<1000x128xf32>
    %add3A = arith.addf %get3A_3, %get3A_8 : vector<1000x128xf32>
    %get3A_9 = arith.constant 0 : index
    %get3A_10 = arith.constant 0 : index
    %get3A_11 = vector.load %arg2[%get3A_9, %get3A_10] : memref<1000x128xf32, #tpu.memory_space<vmem>>, vector<1000x128xf32>
    %add3A_12 = arith.addf %add3A, %get3A_11 : vector<1000x128xf32>
    %get3A_13 = arith.constant 0 : index
    %get3A_14 = arith.constant 0 : index
    %get3A_15 = vector.load %arg3[%get3A_13, %get3A_14] : memref<1000x1xf32, #tpu.memory_space<vmem>>, vector<1000x1xf32>
    %mul3A = vector.broadcast %get3A_15 : vector<1000x1xf32> to vector<1000x128xf32>
    %mul3A_16 = arith.mulf %add3A_12, %mul3A : vector<1000x128xf32>
    %get3A_17 = arith.constant 0 : index
    %get3A_18 = arith.constant 0 : index
    %get3A_19 = vector.load %arg4[%get3A_17, %get3A_18] : memref<1x128xf32, #tpu.memory_space<vmem>>, vector<1x128xf32>
    %add3A_20 = vector.broadcast %get3A_19 : vector<1x128xf32> to vector<1000x128xf32>
    %add3A_21 = arith.addf %mul3A_16, %add3A_20 : vector<1000x128xf32>
    %max3A = arith.constant 0.000000e+00 : f32
    %max3A_22 = vector.broadcast %max3A : f32 to vector<1000x128xf32>
    %max3A_23 = arith.maximumf %add3A_21, %max3A_22 : vector<1000x128xf32>
    %get3A_24 = arith.constant 0 : index
    %get3A_25 = arith.constant 0 : index
    %get3A_26 = arith.constant 0 : index
    %get3A_27 = vector.load %arg5[%get3A_24, %get3A_25, %get3A_26] : memref<1x1x1000xi32, #tpu.memory_space<vmem>>, vector<1x1x1000xi32>
    %get3A_28 = vector.shape_cast %get3A_27 : vector<1x1x1000xi32> to vector<1000xi32>
    %broadcast_in_dim3A = vector.shape_cast %get3A_28 : vector<1000xi32> to vector<1x1000xi32>
    %iota3A = tpu.iota {dimensions = array<i32: 0>} : vector<64x1000xi32>
    %eq3A = vector.broadcast %broadcast_in_dim3A : vector<1x1000xi32> to vector<64x1000xi32>
    %eq3A_29 = arith.cmpi eq, %eq3A, %iota3A : vector<64x1000xi32>
    %convert_element_type3A = arith.extui %eq3A_29 : vector<64x1000xi1> to vector<64x1000xi32>
    %convert_element_type3A_30 = arith.sitofp %convert_element_type3A : vector<64x1000xi32> to vector<64x1000xf32>
    %dot_general3A = arith.constant dense<0.000000e+00> : vector<64x128xf32>
    %dot_general3A_31 = tpu.matmul %convert_element_type3A_30, %max3A_23, %dot_general3A {dimension_numbers = #tpu.dot_dimension_numbers<[1], [0], [0], [1], [0, 0, 1, 1], [], []>, transpose_lhs_hint = false} : vector<64x1000xf32>, vector<1000x128xf32>, vector<64x128xf32> -> vector<64x128xf32>
    %reduce_sum3A = arith.constant dense<0.000000e+00> : vector<64xf32>
    %reduce_sum3A_32 = vector.multi_reduction <add>, %convert_element_type3A_30, %reduce_sum3A [1] : vector<64x1000xf32> to vector<64xf32>
    %broadcast_in_dim3A_33 = vector.shape_cast %reduce_sum3A_32 : vector<64xf32> to vector<64x1xf32>
    %eq3A_34 = arith.constant 0 : i32
    %eq3A_35 = arith.cmpi eq, %arg0, %eq3A_34 : i32
    %convert_element_type3A_36 = arith.extui %eq3A_35 : i1 to i32
    %cond3A = arith.constant 0 : i32
    %cond3A_37 = arith.cmpi ne, %convert_element_type3A_36, %cond3A : i32
    scf.if %cond3A_37 {
      %swap3A = arith.constant 0 : index
      %swap3A_42 = arith.constant 0 : index
      %swap3A_43 = vector.load %arg6[%swap3A, %swap3A_42] : memref<64x128xf32, #tpu.memory_space<vmem>>, vector<64x128xf32>
      tpu.vector_store %arg6[%swap3A, %swap3A_42], %dot_general3A_31 {strides = array<i32>} : memref<64x128xf32, #tpu.memory_space<vmem>>, vector<64x128xf32>,
      %swap3A_44 = arith.constant 0 : index
      %swap3A_45 = arith.constant 0 : index
      %swap3A_46 = vector.load %arg7[%swap3A_44, %swap3A_45] : memref<64x1xf32, #tpu.memory_space<vmem>>, vector<64x1xf32>
      tpu.vector_store %arg7[%swap3A_44, %swap3A_45], %broadcast_in_dim3A_33 {strides = array<i32>} : memref<64x1xf32, #tpu.memory_space<vmem>>, vector<64x1xf32>,
    } else {
    }
    %gt3A = arith.constant 0 : i32
    %gt3A_38 = arith.cmpi sgt, %arg0, %gt3A : i32
    %convert_element_type3A_39 = arith.extui %gt3A_38 : i1 to i32
    %cond3A_40 = arith.constant 0 : i32
    %cond3A_41 = arith.cmpi ne, %convert_element_type3A_39, %cond3A_40 : i32
    scf.if %cond3A_41 {
      %get3A_42 = arith.constant 0 : index
      %get3A_43 = arith.constant 0 : index
      %get3A_44 = vector.load %arg6[%get3A_42, %get3A_43] : memref<64x128xf32, #tpu.memory_space<vmem>>, vector<64x128xf32>
      %add3A_45 = arith.addf %get3A_44, %dot_general3A_31 : vector<64x128xf32>
      %swap3A = arith.constant 0 : index
      %swap3A_46 = arith.constant 0 : index
      %swap3A_47 = vector.load %arg6[%swap3A, %swap3A_46] : memref<64x128xf32, #tpu.memory_space<vmem>>, vector<64x128xf32>
      tpu.vector_store %arg6[%swap3A, %swap3A_46], %add3A_45 {strides = array<i32>} : memref<64x128xf32, #tpu.memory_space<vmem>>, vector<64x128xf32>,
      %get3A_48 = arith.constant 0 : index
      %get3A_49 = arith.constant 0 : index
      %get3A_50 = vector.load %arg7[%get3A_48, %get3A_49] : memref<64x1xf32, #tpu.memory_space<vmem>>, vector<64x1xf32>
      %add3A_51 = arith.addf %get3A_50, %broadcast_in_dim3A_33 : vector<64x1xf32>
      %swap3A_52 = arith.constant 0 : index
      %swap3A_53 = arith.constant 0 : index
      %swap3A_54 = vector.load %arg7[%swap3A_52, %swap3A_53] : memref<64x1xf32, #tpu.memory_space<vmem>>, vector<64x1xf32>
      tpu.vector_store %arg7[%swap3A_52, %swap3A_53], %add3A_51 {strides = array<i32>} : memref<64x1xf32, #tpu.memory_space<vmem>>, vector<64x1xf32>,
    } else {
    }
    return
  }
  func.func @transform_0(%arg0: i32) -> (i32, i32, i32) {
    %c0_i32 = arith.constant 0 : i32
    %c0_i32_0 = arith.constant 0 : i32
    %c0_i32_1 = arith.constant 0 : i32
    return %c0_i32, %arg0, %c0_i32_0 : i32, i32, i32
  }
  func.func @transform_1(%arg0: i32) -> (i32, i32) {
    %c0_i32 = arith.constant 0 : i32
    %c0_i32_0 = arith.constant 0 : i32
    return %arg0, %c0_i32 : i32, i32
  }
  func.func @transform_2(%arg0: i32) -> (i32, i32) {
    %c0_i32 = arith.constant 0 : i32
    %c0_i32_0 = arith.constant 0 : i32
    return %arg0, %c0_i32 : i32, i32
  }
  func.func @transform_3(%arg0: i32) -> (i32, i32) {
    %c0_i32 = arith.constant 0 : i32
    %c0_i32_0 = arith.constant 0 : i32
    %c0_i32_1 = arith.constant 0 : i32
    return %c0_i32, %c0_i32_0 : i32, i32
  }
  func.func @transform_4(%arg0: i32) -> (i32, i32, i32) {
    %c0_i32 = arith.constant 0 : i32
    %c0_i32_0 = arith.constant 0 : i32
    %c0_i32_1 = arith.constant 0 : i32
    return %arg0, %c0_i32, %c0_i32_0 : i32, i32, i32
  }
  func.func @transform_5(%arg0: i32) -> (i32, i32) {
    %c0_i32 = arith.constant 0 : i32
    %c0_i32_0 = arith.constant 0 : i32
    %c0_i32_1 = arith.constant 0 : i32
    return %c0_i32, %c0_i32_0 : i32, i32
  }
  func.func @transform_6(%arg0: i32) -> (i32, i32) {
    %c0_i32 = arith.constant 0 : i32
    %c0_i32_0 = arith.constant 0 : i32
    %c0_i32_1 = arith.constant 0 : i32
    return %c0_i32, %c0_i32_0 : i32, i32
  }
}

module attributes {stable_mosaic.version = 14 : i64} {
  func.func @_tc_fin_body(%arg0: memref<64x128xf32, #tpu.memory_space<vmem>>, %arg1: memref<64x1xf32, #tpu.memory_space<vmem>>, %arg2: memref<128x32xf32, #tpu.memory_space<vmem>>, %arg3: memref<1x32xf32, #tpu.memory_space<vmem>>, %arg4: memref<32x1xf32, #tpu.memory_space<vmem>>, %arg5: memref<1x1xf32, #tpu.memory_space<vmem>>, %arg6: memref<64x1xf32, #tpu.memory_space<vmem>>) attributes {dimension_semantics = [], scalar_prefetch = 0 : i64, scratch_operands = 0 : i64, tpu.core_type = #tpu.core_type<tc>} {
    %get3A = arith.constant 0 : index
    %get3A_0 = arith.constant 0 : index
    %get3A_1 = vector.load %arg0[%get3A, %get3A_0] : memref<64x128xf32, #tpu.memory_space<vmem>>, vector<64x128xf32>
    %get3A_2 = arith.constant 0 : index
    %get3A_3 = arith.constant 0 : index
    %get3A_4 = vector.load %arg1[%get3A_2, %get3A_3] : memref<64x1xf32, #tpu.memory_space<vmem>>, vector<64x1xf32>
    %max3A = arith.constant 1.000000e+00 : f32
    %max3A_5 = vector.broadcast %max3A : f32 to vector<64x1xf32>
    %max3A_6 = arith.maximumf %get3A_4, %max3A_5 : vector<64x1xf32>
    %div3A = vector.broadcast %max3A_6 : vector<64x1xf32> to vector<64x128xf32>
    %div3A_7 = arith.divf %get3A_1, %div3A : vector<64x128xf32>
    %get3A_8 = arith.constant 0 : index
    %get3A_9 = arith.constant 0 : index
    %get3A_10 = vector.load %arg2[%get3A_8, %get3A_9] : memref<128x32xf32, #tpu.memory_space<vmem>>, vector<128x32xf32>
    %dot_general3A = arith.constant dense<0.000000e+00> : vector<64x32xf32>
    %dot_general3A_11 = tpu.matmul %div3A_7, %get3A_10, %dot_general3A {dimension_numbers = #tpu.dot_dimension_numbers<[1], [0], [0], [1], [0, 0, 1, 1], [], []>, transpose_lhs_hint = false} : vector<64x128xf32>, vector<128x32xf32>, vector<64x32xf32> -> vector<64x32xf32>
    %get3A_12 = arith.constant 0 : index
    %get3A_13 = arith.constant 0 : index
    %get3A_14 = vector.load %arg3[%get3A_12, %get3A_13] : memref<1x32xf32, #tpu.memory_space<vmem>>, vector<1x32xf32>
    %add3A = vector.broadcast %get3A_14 : vector<1x32xf32> to vector<64x32xf32>
    %add3A_15 = arith.addf %dot_general3A_11, %add3A : vector<64x32xf32>
    %max3A_16 = arith.constant 0.000000e+00 : f32
    %max3A_17 = vector.broadcast %max3A_16 : f32 to vector<64x32xf32>
    %max3A_18 = arith.maximumf %add3A_15, %max3A_17 : vector<64x32xf32>
    %get3A_19 = arith.constant 0 : index
    %get3A_20 = arith.constant 0 : index
    %get3A_21 = vector.load %arg4[%get3A_19, %get3A_20] : memref<32x1xf32, #tpu.memory_space<vmem>>, vector<32x1xf32>
    %dot_general3A_22 = arith.constant dense<0.000000e+00> : vector<64x1xf32>
    %dot_general3A_23 = tpu.matmul %max3A_18, %get3A_21, %dot_general3A_22 {dimension_numbers = #tpu.dot_dimension_numbers<[1], [0], [0], [1], [0, 0, 1, 1], [], []>, transpose_lhs_hint = false} : vector<64x32xf32>, vector<32x1xf32>, vector<64x1xf32> -> vector<64x1xf32>
    %get3A_24 = arith.constant 0 : index
    %get3A_25 = arith.constant 0 : index
    %get3A_26 = vector.load %arg5[%get3A_24, %get3A_25] : memref<1x1xf32, #tpu.memory_space<vmem>>, vector<1x1xf32>
    %add3A_27 = vector.broadcast %get3A_26 : vector<1x1xf32> to vector<64x1xf32>
    %add3A_28 = arith.addf %dot_general3A_23, %add3A_27 : vector<64x1xf32>
    %swap3A = arith.constant 0 : index
    %swap3A_29 = arith.constant 0 : index
    %swap3A_30 = vector.load %arg6[%swap3A, %swap3A_29] : memref<64x1xf32, #tpu.memory_space<vmem>>, vector<64x1xf32>
    tpu.vector_store %arg6[%swap3A, %swap3A_29], %add3A_28 {strides = array<i32>} : memref<64x1xf32, #tpu.memory_space<vmem>>, vector<64x1xf32>,
    return
  }
}

</mosaic_0001>

<sc_bundles>
// kernel: kernel.11.cloned.1.call-start
scs
__scs_entry_jumppad:
0x0: {  	(pc) =	sbr.rel $0x88, $3  }
0x1: {  	(tag) =	ssettag $0x0;
	lr =	simm.s32 $0x1  }
0x2: {  	[smem:$0x3F94] =	sst lr;
	_ =	strace $0xD0000000  }
0x3: {  	_ = 	snop  }
0x4: {  	_ = 	snop  }
0x5: {  	_ = 	snop  }
0x6: {  	_ = 	snop  }
0x7: {  	_ = 	snop  }
__scs_overlays_trampoline_lowered:
0x8: {  	[smem:$0x3FA3] =	sst s0  }
0x9: {  	[smem:$0x3FA4] =	sst s1  }
0xa: {  	[smem:$0x3FA5] =	sst s2  }
0xb: {  	[smem:$0x3FA6] =	sst s3  }
0xc: {  	[smem:$0x3FA7] =	sst s4  }
0xd: {  	[smem:$0x3FA8] =	sst s5  }
0xe: {  	[smem:$0x3FA9] =	sst s6  }
0xf: {  	[smem:$0x3FAA] =	sst s7  }
0x10: {  	[smem:$0x3FAB] =	sst s8  }
0x11: {  	[smem:$0x3FAC] =	sst s9;
	s0 =	simm.s32 @!p0 $0x0  }
0x12: {  	s1 =	sld [smem:$0x3F92];
	s0 =	simm.s32 @p0 $0x1  }
0x13: {  	[smem:$0x3FAD] =	sst s0;
	s0 =	simm.s32 @!p1 $0x0  }
0x14: {  	s2 =	sld [smem:$0x3F91];
	s0 =	simm.s32 @p1 $0x1  }
0x15: {  	[smem:$0x3FAE] =	sst s0;
	s0 =	simm.s32 @!p2 $0x0  }
0x16: {  	s3 =	sld [smem:$0x3FDB];
	s0 =	simm.s32 @p2 $0x1  }
0x17: {  	s4 =	simm.s32 $0x1BF5;
	[smem:$0x3FB0] =	sst s0  }
0x18: {  	s0 =	sld [smem:$0x3F93];
	_ =	swait.ge [sflag:s4], $0x0  }
0x19: {  	s7 =	sld [smem:$0x3F94]  }
0x1a: {  	s8 =	sadd.s32 $0xFFFFE003, lr  }
0x1b: {  	s9 =	sadd.s32 $0xFFFFFEF7, lr;
	s5 =	simm.s32 $0xFFFFFFFF;
	p2 =	slt.u32 s8, $0xFFFFF086  }
0x1c: {  	p1 =	slt.u32 s9, $0xF7A;
	s5 =	simm.s32 @!p2 $0x0  }
0x1d: {  	s5 =	simm.s32 @p1 $0x1;
	p0 =	seq.s32 s7, s2  }
0x1e: {  	s7 =	smul.u32 @!p0 $0xF7A, s2;
	p2 =	seq.s32 @!p0 s5, $0x0  }
0x1f: {  	s9 =	smul.u32 $0xF7A, s1;
	s8 =	simm.s32 @!p0 $0x1BF5;
	p2 =	por !p2, p0  }
0x20: {  	[sflag:s8] =	ssyncset.s32 @!p0 $0xFFFFF086;
	s6 =	sadd.s32 @!p0 s3, s7;
	s7 =	simm.s32 @!p0 $0x108  }
0x21: {  	s3 =	sadd.s32 s3, s9;
	s6 =	sadd.s32 @!p0 $0x88, s6;
	s7 =	simm.s32 @p2 $0x1082  }
0x22: {  	[simem:s7], [sflag:s8] =	dma.local @!p0 [hbm:s6], $0xF7A  }
0x23: {  	s9 =	sor.u32 $0xD0000000, s2;
	s6 =	simm.s32 $0x108;
	_ =	swait.ge @!p0 [sflag:s8], $0x0  }
0x24: {  	s3 =	sadd.s32 $0x88, s3;
	s6 =	simm.s32 @!p1 $0x1082;
	[sflag:s4] =	ssyncset.s32 $0xFFFFF086  }
0x25: {  	[simem:s6], [sflag:s4] =	dma.local [hbm:s3], $0xF7A  }
0x26: {  	[smem:$0x3F94] =	sst s1;
	(tag) =	ssettag s2;
	_ =	strace s9  }
0x27: {  	s1 =	sld [smem:$0x3FA4]  }
0x28: {  	s2 =	sld [smem:$0x3FA5]  }
0x29: {  	s4 =	sld [smem:$0x3FA7]  }
0x2a: {  	p0 =	seq.s32 s5, $0x0;
	s5 =	sld [smem:$0x3FA8]  }
0x2b: {  	s6 =	sld [smem:$0x3FA9]  }
0x2c: {  	s7 =	sld [smem:$0x3FAA]  }
0x2d: {  	s3 =	simm.s32 $0x108;
	s8 =	sld [smem:$0x3FAB]  }
0x2e: {  	s3 =	simm.s32 @!p0 $0x1082;
	s9 =	sld [smem:$0x3FAC]  }
0x2f: {  	lr =	sadd.s32 s0, s3;
	s0 =	sld [smem:$0x3FA3]  }
0x30: {  	s3 =	sld [smem:$0x3FA6]  }
0x31: {  	[smem:$0x3FAF] =	sst s10  }
0x32: {  	s10 =	sld [smem:$0x3FAD];
	_ =	sdelay $0x3  }
0x33: {  	p0 =	seq.s32 s10, $0x1;
	s10 =	sld [smem:$0x3FAF];
	_ =	sdelay $0x3  }
0x34: {  	[smem:$0x3FAF] =	sst s10  }
0x35: {  	s10 =	sld [smem:$0x3FAE];
	_ =	sdelay $0x3  }
0x36: {  	p1 =	seq.s32 s10, $0x1;
	s10 =	sld [smem:$0x3FAF];
	_ =	sdelay $0x3  }
0x37: {  	[smem:$0x3FAF] =	sst s10  }
0x38: {  	s10 =	sld [smem:$0x3FB0]  }
0x39: {  	_ = 	snop;
	(pc) =	sbr.ind lr, $3  }
0x3a: {  	_ = 	snop  }
0x3b: {  	_ = 	snop  }
0x3c: {  	p2 =	seq.s32 s10, $0x1;
	s10 =	sld [smem:$0x3FAF]  }
0x3d: {  	_ =	shalt  }
0x3e: {  	_ =	shalt  }
0x3f: {  	_ =	shalt  }
0x40: {  	_ =	shalt  }
0x41: {  	_ =	shalt  }
0x42: {  	_ =	shalt  }
0x43: {  	_ =	shalt  }
0x44: {  	_ =	shalt  }
0x45: {  	_ =	shalt  }
0x46: {  	_ =	shalt  }
0x47: {  	_ =	shalt  }
0x48: {  	_ =	shalt  }
0x49: {  	_ =	shalt  }
0x4a: {  	_ =	shalt  }
0x4b: {  	_ =	shalt  }
0x4c: {  	_ =	shalt  }
0x4d: {  	_ =	shalt  }
0x4e: {  	_ =	shalt  }
0x4f: {  	_ =	shalt  }
0x50: {  	_ =	shalt  }
0x51: {  	_ =	shalt  }
0x52: {  	_ =	shalt  }
0x53: {  	_ =	shalt  }
0x54: {  	_ =	shalt  }
0x55: {  	_ =	shalt  }
0x56: {  	_ =	shalt  }
0x57: {  	_ =	shalt  }
0x58: {  	_ =	shalt  }
0x59: {  	_ =	shalt  }
0x5a: {  	_ =	shalt  }
0x5b: {  	_ =	shalt  }
0x5c: {  	_ =	shalt  }
0x5d: {  	_ =	shalt  }
0x5e: {  	_ =	shalt  }
0x5f: {  	_ =	shalt  }
0x60: {  	_ =	shalt  }
0x61: {  	_ =	shalt  }
0x62: {  	_ =	shalt  }
0x63: {  	_ =	shalt  }
0x64: {  	_ =	shalt  }
0x65: {  	_ =	shalt  }
0x66: {  	_ =	shalt  }
0x67: {  	_ =	shalt  }
0x68: {  	_ =	shalt  }
0x69: {  	_ =	shalt  }
0x6a: {  	_ =	shalt  }
0x6b: {  	_ =	shalt  }
0x6c: {  	_ =	shalt  }
0x6d: {  	_ =	shalt  }
0x6e: {  	_ =	shalt  }
0x6f: {  	_ =	shalt  }
0x70: {  	_ =	shalt  }
0x71: {  	_ =	shalt  }
0x72: {  	_ =	shalt  }
0x73: {  	_ =	shalt  }
0x74: {  	_ =	shalt  }
0x75: {  	_ =	shalt  }
0x76: {  	_ =	shalt  }
0x77: {  	_ =	shalt  }
0x78: {  	_ =	shalt  }
0x79: {  	_ =	shalt  }
0x7a: {  	_ =	shalt  }
0x7b: {  	_ =	shalt  }
0x7c: {  	_ =	shalt  }
0x7d: {  	_ =	shalt  }
0x7e: {  	_ =	shalt  }
0x7f: {  	_ =	shalt  }
0x80: {  	_ =	shalt  }
0x81: {  	_ =	shalt  }
0x82: {  	_ =	shalt  }
0x83: {  	_ =	shalt  }
0x84: {  	_ =	shalt  }
0x85: {  	_ =	shalt  }
0x86: {  	_ =	shalt  }
0x87: {  	_ =	shalt  }
.Lfunc_end0:
.L_simem_size_0:
called_computation_lowered:
.L_overlay_start_0:
0x88: {  	s2 =	sld [smem:$0x3FD9]  }
0x89: {  	s3 =	sld [smem:$0x3FFE];
	_ =	sdelay $0x1  }
0x8a: {  	s1 =	srdreg.scid  }
0x8b: {  	s0 =	sand.u32 $0x1, s1  }
0x8c: {  	s16 =	sshll.u32 s0, $0xA;
	s2 =	sadd.s32 s3, s2  }
0x8d: {  	s2 =	sadd.s32 s2, s16  }
0x8e: {  	[smem:$0x3FBB] =	sst s2  }
0x8f: {  	_ = 	snop  }
0x90: {  	(tm) =	ssettm $0x1  }
0x91: {  	s17 =	sld [smem:$0x3FFB];
	_ =	sdelay $0x3  }
0x92: {  	_ =	strace s17  }
0x93: {  	s2 =	sld [smem:$0x3FFC];
	_ =	sdelay $0x3  }
0x94: {  	_ =	strace s2  }
0x95: {  	s2 =	sld [smem:$0x3FFD];
	_ =	sdelay $0x3  }
0x96: {  	_ =	strace s2  }
0x97: {  	_ =	strace $0x8FFFFFFF  }
0x98: {  	s18 =	sld [smem:$0x3FDB];
	_ =	sdelay $0x1  }
0x99: {  	s19 =	simm.s32 $_scs_section_size  }
0x9a: {  	s4 =	simm.s32 $_size__tile_overlayer_lowered;
	s5 =	simm.s32 $_tile_overlayer_lowered  }
0x9b: {  	s22 =	simm.s32 $0x1BFF;
	s21 =	sshll.u32 s5, $0x1;
	s2 =	sadd.s32 s19, s18  }
0x9c: {  	s6 =	simm.s32 $0x0;
	s20 =	sshll.u32 s4, $0x1;
	s4 =	sadd.s32 s21, s2  }
0x9d: {  	[timem:s6], [sflag:s22] =	dma.local [hbm:s4], s20  }
0x9e: {  	_ =	swait.ge [sflag:s22], s20  }
0x9f: {  	s3 =	ssub.s32 $0x0, s20;
	[sflag:s22] =	ssyncset.done $0x0  }
0xa0: {  	[sflag:s22] =	ssyncadd.s32 s3;
	_ =	sdelay $0x1  }
0xa1: {  	s23 =	simm.s32 $0x1B8B  }
0xa2: {  	_ =	swait.ge [sflag:s23], $0x1  }
0xa3: {  	[sflag:s23] =	ssyncset.done $0x0  }
0xa4: {  	s25 =	simm.s32 $0x1B8E;
	s24 =	sld [smem:$0x3FFE];
	[sflag:s23] =	ssyncadd.s32 $0xFFFFFFFF  }
0xa5: {  	s26 =	simm.s32 $execute0_lowered;
	[smem:$0x3FD2] =	sst s25  }
0xa6: {  	s4 =	sshll.u32 s26, $0x1;
	_ =	strace $0x80000046;
	[dreg:$0x1] =	wrdreg $0xFFFFFFFF  }
0xa7: {  	s28 =	simm.s32 $_size_execute0_lowered;
	s2 =	sadd.s32 s2, s4;
	[dreg:$0x0] =	wrdreg $0x0  }
0xa8: {  	s4 =	sshll.u32 s28, $0x1;
	[dreg:$0x2] =	wrdreg s2  }
0xa9: {  	[dreg:$0x3] =	wrdreg s4  }
0xaa: {  	[dreg:$0x4] =	wrdreg $0xC0  }
0xab: {  	_ =	task [dreg:s6], $0x5FFFF  }
0xac: {  	[dreg:$0x1] =	wrdreg $0xFFFFFFFF  }
0xad: {  	[dreg:$0x0] =	wrdreg $0x60  }
0xae: {  	[dreg:$0x2] =	wrdreg s24  }
0xaf: {  	[dreg:$0x3] =	wrdreg $0x9  }
0xb0: {  	_ =	task.clear_ibuf [dreg:s6], $0x4FFFF;
	_ =	strace $0x90000046  }
0xb1: {  	s29 =	simm.s32 $0x9;
	_ =	strace $0x80000048  }
0xb2: {  	_ =	swait.ge [sflag:s29], $0x1  }
0xb3: {  	[sflag:s29] =	ssyncadd.s32 $0xFFFFFFFF  }
0xb4: {  	_ =	strace $0x90000048  }
0xb5: {  	_ =	sfence  }
0xb6: {  	s30 =	sld [smem:$0x0];
	_ =	sdelay $0x2  }
0xb7: {  	s31 =	sshll.u32 s1, $0xD;
	s1 =	sshrl.u32 s1, $0x2  }
0xb8: {  	s3 =	sand.u32 $0x4000, s31;
	s1 =	sadd.s32 s1, s30  }
0xb9: {  	s0 =	sor.u32 s3, s0;
	s1 =	sshll.u32 s1, $0x11  }
0xba: {  	s0 =	sor.u32 s1, s0  }
0xbb: {  	s0 =	sadd.s32 $0x8F2B, s0  }
0xbc: {  	[sflag:s0] =	ssyncadd.remote.s32 $0x1  }
0xbd: {  	_ =	sfence.sel $0xFFFF  }
0xbe: {  	[dreg:$0x0] =	wrdreg $0xFFFFFFFF;
	(pc) =	sbr.abs _section_cstart, $3  }
0xbf: {  	[dreg:$0x1] =	wrdreg $0xFFFFFFFF  }
0xc0: {  	_ =	task.clear_ibuf [dreg:s6], $0x2FFFF;
	_ =	strace $0x9FFFFFFF  }
0xc1: {  	(tm) =	ssettm $0x7FFFFFFF  }
tec
execute0_lowered:
.L_overlay_start_1:
0x0: {  	(tag) =	ssettag $0x1  }
0x1: {  	s1 =	srdreg.scid  }
0x2: {  	s0 =	stileid.u32;
	s5 =	rddreg [dreg:$0x0]  }
0x3: {  	s6 =	simm.s32 $0x80;
	s7 =	simm.s32 $0x400;
	s8 =	simm.s32 $0x1  }
0x4: {  	s3 =	sand.u32 $0x1, s1;
	s29 =	sshrl.u32 s0, $0x2;
	s2 =	sshll.u32 s0, $0x8  }
0x5: {  	s4 =	smul.u32 $0x13C00, s29;
	s30 =	sshll.u32 s3, $0x7;
	s2 =	sand.u32 $0x300, s2  }
0x6: {  	s9 =	simm.s32 $0x2780;
	s1 =	rddreg [dreg:$0x1];
	s2 =	sor.u32 s30, s2  }
0x7: {  	s3 =	ssub.s32 $0x2, s3;
	s4 =	sor.u32 s4, s2;
	s2 =	simm.s32 $0x0  }
0x8: {  	s31 =	sshrl.u32 s3, $0x1;
	s4 =	sshrl.u32 s4, $0x3;
	[smem:$0x7FF] =	sst s2  }
0x9: {  	s4 =	sadd.s32 s4, s5;
	_ =	strace $0x80000047;
	s5 =	ssub.s32 s3, s31  }
0xa: {  	v0 =	vimm.f32 $0.0e+00;
	v1 =	vimm.f32 $1.000000000e+00;
	s3 =	sadd.s32 $0x3C00, s4;
	s4 =	sadd.s32 $0xDA00, s4;
	s5 =	smax.u32 s5, $0x1  }
.LBB2_1:
0xb: {  	s10 =	simm.s32 $0x40;
	s11 =	simm.s32 $0x0  }
.LBB2_2:
0xc: {  	p0 =	sne.s32 s10, $0x9C00;
	[tilespmem:s11+$0x2780] =	vst v0;
	s11 =	smov.u32 s10;
	s10 =	sadd.s32 $0x40, s10  }
.Ltmp0:
0xd: {  	(pc) =	sbr.rel @p0 .LBB2_2-.Ltmp0, $2  }
0xe: {  	_ =	sdelay $0x2  }
0xf: {  	s11 =	sshra.s32 s11, $0x2  }
0x10: {  	[tilespmem:s11+$0x2780] =	vst v0;
	s10 =	simm.s32 $0x0  }
0x11: {  	[tilespmem:s10], [sflag:$0x1] =	stream.strided.gather [hbm4b:s3+s6], $0x2780, s7, s6, $0x38;
	[tilespmem:$0x4F00] =	vst v63  }
0x12: {  	_ =	swait.ge [sflag:s8], $0x2780  }
0x13: {  	[sflag:s8] =	ssyncset.done $0x0  }
0x14: {  	s11 =	simm.s32 $0x0;
	s10 =	simm.s32 $0x40;
	[sflag:s8] =	ssyncadd.s32 $0xFFFFD880  }
.LBB2_4:
0x15: {  	p0 =	sne.s32 s10, $0x9C00;
	v2 =	vld [tilespmem:s11+$0x0];
	_ =	sdelay $0x3  }
.Ltmp1:
0x16: {  	(pc) =	sbr.rel @p0 .LBB2_4-.Ltmp1, $2  }
0x17: {  	_ =	sdelay $0x2  }
0x18: {  	s11 =	sshra.s32 s10, $0x2;
	s10 =	sadd.s32 $0x40, s10;
	[tilespmem:v2+s9+$0x0] =	vst.idx.add.f32.msk $0xffff, v1  }
0x19: {  	v2 =	vld [tilespmem:s11+$0x0];
	_ =	sdelay $0x5  }
0x1a: {  	s2 =	sadd.s32 $0x1, s2  }
0x1b: {  	p0 =	sne.s32 s2, s5  }
.Ltmp2:
0x1c: {  	[tilespmem:v2+s9+$0x0] =	vst.idx.add.f32.msk $0xffff, v1;
	(pc) =	sbr.rel @p0 .LBB2_1-.Ltmp2, $4  }
0x1d: {  	[hbm4b:s4+s6] =	stream.strided.scatter [tilespmem:s9], [sflag:$0x1], $0x2780, s7, s6, $0x38;
	[tilespmem:$0x4F00] =	vst v63  }
0x1e: {  	_ =	swait.ge [sflag:s8], $0x2780  }
0x1f: {  	[sflag:s8] =	ssyncset.done $0x0  }
0x20: {  	[sflag:s8] =	ssyncadd.s32 $0xFFFFD880  }
0x21: {  	_ =	sfence.sel $0x180000  }
0x22: {  	[bflag:$0x0] =	sbarrier.arrive $0xFFFF  }
0x23: {  	p0 =	sne.s32 s0, $0x0;
	_ =	strace $0x90000047  }
0x24: {  	s0 =	sadd.s32 @!p0 $0x100000, s1;
	[bflag:$0x2] =	sbarrier.arrive $0xFFFF  }
0x25: {  	[sflag:s0] =	ssyncadd.tile.s32 @!p0 $0x1;
	_ =	shalt  }
.Lfunc_end2:
_tile_overlayer_lowered:
.L_overlay_start_2:
0x26: {  	(tag) =	ssettag $0x2  }
0x27: {  	s0 =	rddreg [dreg:$0x0];
	s2 =	stileid.u32  }
0x28: {  	s1 =	rddreg [dreg:$0x1];
	p0 =	sne.s32 s2, $0x0  }
0x29: {  	s3 =	rddreg [dreg:$0x2];
	[bflag:$0x3] =	sbarrier.arrive $0xFFFF;
	s2 =	simm.s32 @!p0 $0x1C01  }
0x2a: {  	[timem:s3], [sflag:s2] =	dma.local @!p0 [hbm:s0], s1  }
0x2b: {  	s0 =	simm.s32 @!p0 $0x1  }
0x2c: {  	_ =	swait.ge @!p0 [sflag:s0], s1  }
0x2d: {  	s1 =	ssub.s32 @!p0 $0x0, s1;
	[sflag:s0] =	ssyncset.done @!p0 $0x0  }
0x2e: {  	[sflag:s0] =	ssyncadd.s32 @!p0 s1  }
0x2f: {  	[bflag:$0x3] =	sbarrier.arrive $0xFFFF  }
0x30: {  	_ =	shalt  }

// kernel: kernel.14.cloned.1.call-start
scs
__scs_entry_jumppad:
0x0: {  	(pc) =	sbr.rel $0x88, $3  }
0x1: {  	(tag) =	ssettag $0x0;
	lr =	simm.s32 $0x1  }
0x2: {  	[smem:$0x3F94] =	sst lr;
	_ =	strace $0xD0000000  }
0x3: {  	_ = 	snop  }
0x4: {  	_ = 	snop  }
0x5: {  	_ = 	snop  }
0x6: {  	_ = 	snop  }
0x7: {  	_ = 	snop  }
__scs_overlays_trampoline_lowered:
0x8: {  	[smem:$0x3FA3] =	sst s0  }
0x9: {  	[smem:$0x3FA4] =	sst s1  }
0xa: {  	[smem:$0x3FA5] =	sst s2  }
0xb: {  	[smem:$0x3FA6] =	sst s3  }
0xc: {  	[smem:$0x3FA7] =	sst s4  }
0xd: {  	[smem:$0x3FA8] =	sst s5  }
0xe: {  	[smem:$0x3FA9] =	sst s6  }
0xf: {  	[smem:$0x3FAA] =	sst s7  }
0x10: {  	[smem:$0x3FAB] =	sst s8  }
0x11: {  	[smem:$0x3FAC] =	sst s9;
	s0 =	simm.s32 @!p0 $0x0  }
0x12: {  	s1 =	sld [smem:$0x3F92];
	s0 =	simm.s32 @p0 $0x1  }
0x13: {  	[smem:$0x3FAD] =	sst s0;
	s0 =	simm.s32 @!p1 $0x0  }
0x14: {  	s2 =	sld [smem:$0x3F91];
	s0 =	simm.s32 @p1 $0x1  }
0x15: {  	[smem:$0x3FAE] =	sst s0;
	s0 =	simm.s32 @!p2 $0x0  }
0x16: {  	s3 =	sld [smem:$0x3FDB];
	s0 =	simm.s32 @p2 $0x1  }
0x17: {  	s4 =	simm.s32 $0x1BF5;
	[smem:$0x3FB0] =	sst s0  }
0x18: {  	s0 =	sld [smem:$0x3F93];
	_ =	swait.ge [sflag:s4], $0x0  }
0x19: {  	s7 =	sld [smem:$0x3F94]  }
0x1a: {  	s8 =	sadd.s32 $0xFFFFE003, lr  }
0x1b: {  	s9 =	sadd.s32 $0xFFFFFEF7, lr;
	s5 =	simm.s32 $0xFFFFFFFF;
	p2 =	slt.u32 s8, $0xFFFFF086  }
0x1c: {  	p1 =	slt.u32 s9, $0xF7A;
	s5 =	simm.s32 @!p2 $0x0  }
0x1d: {  	s5 =	simm.s32 @p1 $0x1;
	p0 =	seq.s32 s7, s2  }
0x1e: {  	s7 =	smul.u32 @!p0 $0xF7A, s2;
	p2 =	seq.s32 @!p0 s5, $0x0  }
0x1f: {  	s9 =	smul.u32 $0xF7A, s1;
	s8 =	simm.s32 @!p0 $0x1BF5;
	p2 =	por !p2, p0  }
0x20: {  	[sflag:s8] =	ssyncset.s32 @!p0 $0xFFFFF086;
	s6 =	sadd.s32 @!p0 s3, s7;
	s7 =	simm.s32 @!p0 $0x108  }
0x21: {  	s3 =	sadd.s32 s3, s9;
	s6 =	sadd.s32 @!p0 $0x88, s6;
	s7 =	simm.s32 @p2 $0x1082  }
0x22: {  	[simem:s7], [sflag:s8] =	dma.local @!p0 [hbm:s6], $0xF7A  }
0x23: {  	s9 =	sor.u32 $0xD0000000, s2;
	s6 =	simm.s32 $0x108;
	_ =	swait.ge @!p0 [sflag:s8], $0x0  }
0x24: {  	s3 =	sadd.s32 $0x88, s3;
	s6 =	simm.s32 @!p1 $0x1082;
	[sflag:s4] =	ssyncset.s32 $0xFFFFF086  }
0x25: {  	[simem:s6], [sflag:s4] =	dma.local [hbm:s3], $0xF7A  }
0x26: {  	[smem:$0x3F94] =	sst s1;
	(tag) =	ssettag s2;
	_ =	strace s9  }
0x27: {  	s1 =	sld [smem:$0x3FA4]  }
0x28: {  	s2 =	sld [smem:$0x3FA5]  }
0x29: {  	s4 =	sld [smem:$0x3FA7]  }
0x2a: {  	p0 =	seq.s32 s5, $0x0;
	s5 =	sld [smem:$0x3FA8]  }
0x2b: {  	s6 =	sld [smem:$0x3FA9]  }
0x2c: {  	s7 =	sld [smem:$0x3FAA]  }
0x2d: {  	s3 =	simm.s32 $0x108;
	s8 =	sld [smem:$0x3FAB]  }
0x2e: {  	s3 =	simm.s32 @!p0 $0x1082;
	s9 =	sld [smem:$0x3FAC]  }
0x2f: {  	lr =	sadd.s32 s0, s3;
	s0 =	sld [smem:$0x3FA3]  }
0x30: {  	s3 =	sld [smem:$0x3FA6]  }
0x31: {  	[smem:$0x3FAF] =	sst s10  }
0x32: {  	s10 =	sld [smem:$0x3FAD];
	_ =	sdelay $0x3  }
0x33: {  	p0 =	seq.s32 s10, $0x1;
	s10 =	sld [smem:$0x3FAF];
	_ =	sdelay $0x3  }
0x34: {  	[smem:$0x3FAF] =	sst s10  }
0x35: {  	s10 =	sld [smem:$0x3FAE];
	_ =	sdelay $0x3  }
0x36: {  	p1 =	seq.s32 s10, $0x1;
	s10 =	sld [smem:$0x3FAF];
	_ =	sdelay $0x3  }
0x37: {  	[smem:$0x3FAF] =	sst s10  }
0x38: {  	s10 =	sld [smem:$0x3FB0]  }
0x39: {  	_ = 	snop;
	(pc) =	sbr.ind lr, $3  }
0x3a: {  	_ = 	snop  }
0x3b: {  	_ = 	snop  }
0x3c: {  	p2 =	seq.s32 s10, $0x1;
	s10 =	sld [smem:$0x3FAF]  }
0x3d: {  	_ =	shalt  }
0x3e: {  	_ =	shalt  }
0x3f: {  	_ =	shalt  }
0x40: {  	_ =	shalt  }
0x41: {  	_ =	shalt  }
0x42: {  	_ =	shalt  }
0x43: {  	_ =	shalt  }
0x44: {  	_ =	shalt  }
0x45: {  	_ =	shalt  }
0x46: {  	_ =	shalt  }
0x47: {  	_ =	shalt  }
0x48: {  	_ =	shalt  }
0x49: {  	_ =	shalt  }
0x4a: {  	_ =	shalt  }
0x4b: {  	_ =	shalt  }
0x4c: {  	_ =	shalt  }
0x4d: {  	_ =	shalt  }
0x4e: {  	_ =	shalt  }
0x4f: {  	_ =	shalt  }
0x50: {  	_ =	shalt  }
0x51: {  	_ =	shalt  }
0x52: {  	_ =	shalt  }
0x53: {  	_ =	shalt  }
0x54: {  	_ =	shalt  }
0x55: {  	_ =	shalt  }
0x56: {  	_ =	shalt  }
0x57: {  	_ =	shalt  }
0x58: {  	_ =	shalt  }
0x59: {  	_ =	shalt  }
0x5a: {  	_ =	shalt  }
0x5b: {  	_ =	shalt  }
0x5c: {  	_ =	shalt  }
0x5d: {  	_ =	shalt  }
0x5e: {  	_ =	shalt  }
0x5f: {  	_ =	shalt  }
0x60: {  	_ =	shalt  }
0x61: {  	_ =	shalt  }
0x62: {  	_ =	shalt  }
0x63: {  	_ =	shalt  }
0x64: {  	_ =	shalt  }
0x65: {  	_ =	shalt  }
0x66: {  	_ =	shalt  }
0x67: {  	_ =	shalt  }
0x68: {  	_ =	shalt  }
0x69: {  	_ =	shalt  }
0x6a: {  	_ =	shalt  }
0x6b: {  	_ =	shalt  }
0x6c: {  	_ =	shalt  }
0x6d: {  	_ =	shalt  }
0x6e: {  	_ =	shalt  }
0x6f: {  	_ =	shalt  }
0x70: {  	_ =	shalt  }
0x71: {  	_ =	shalt  }
0x72: {  	_ =	shalt  }
0x73: {  	_ =	shalt  }
0x74: {  	_ =	shalt  }
0x75: {  	_ =	shalt  }
0x76: {  	_ =	shalt  }
0x77: {  	_ =	shalt  }
0x78: {  	_ =	shalt  }
0x79: {  	_ =	shalt  }
0x7a: {  	_ =	shalt  }
0x7b: {  	_ =	shalt  }
0x7c: {  	_ =	shalt  }
0x7d: {  	_ =	shalt  }
0x7e: {  	_ =	shalt  }
0x7f: {  	_ =	shalt  }
0x80: {  	_ =	shalt  }
0x81: {  	_ =	shalt  }
0x82: {  	_ =	shalt  }
0x83: {  	_ =	shalt  }
0x84: {  	_ =	shalt  }
0x85: {  	_ =	shalt  }
0x86: {  	_ =	shalt  }
0x87: {  	_ =	shalt  }
.Lfunc_end0:
.L_simem_size_0:
called_computation.1_lowered:
.L_overlay_start_0:
0x88: {  	s2 =	sld [smem:$0x3FD9]  }
0x89: {  	s3 =	sld [smem:$0x3FFE];
	_ =	sdelay $0x1  }
0x8a: {  	s1 =	srdreg.scid  }
0x8b: {  	s0 =	sand.u32 $0x1, s1  }
0x8c: {  	s16 =	sshll.u32 s0, $0xA;
	s2 =	sadd.s32 s3, s2  }
0x8d: {  	s2 =	sadd.s32 s2, s16  }
0x8e: {  	[smem:$0x3FBB] =	sst s2  }
0x8f: {  	_ = 	snop  }
0x90: {  	(tm) =	ssettm $0x1  }
0x91: {  	s17 =	sld [smem:$0x3FFB];
	_ =	sdelay $0x3  }
0x92: {  	_ =	strace s17  }
0x93: {  	s2 =	sld [smem:$0x3FFC];
	_ =	sdelay $0x3  }
0x94: {  	_ =	strace s2  }
0x95: {  	s2 =	sld [smem:$0x3FFD];
	_ =	sdelay $0x3  }
0x96: {  	_ =	strace s2  }
0x97: {  	_ =	strace $0x8FFFFFFF  }
0x98: {  	s18 =	sld [smem:$0x3FDB];
	_ =	sdelay $0x1  }
0x99: {  	s19 =	simm.s32 $_scs_section_size  }
0x9a: {  	s4 =	simm.s32 $_size__tile_overlayer_lowered;
	s5 =	simm.s32 $_tile_overlayer_lowered  }
0x9b: {  	s22 =	simm.s32 $0x1BFF;
	s21 =	sshll.u32 s5, $0x1;
	s2 =	sadd.s32 s19, s18  }
0x9c: {  	s6 =	simm.s32 $0x0;
	s20 =	sshll.u32 s4, $0x1;
	s4 =	sadd.s32 s21, s2  }
0x9d: {  	[timem:s6], [sflag:s22] =	dma.local [hbm:s4], s20  }
0x9e: {  	_ =	swait.ge [sflag:s22], s20  }
0x9f: {  	s3 =	ssub.s32 $0x0, s20;
	[sflag:s22] =	ssyncset.done $0x0  }
0xa0: {  	[sflag:s22] =	ssyncadd.s32 s3;
	_ =	sdelay $0x1  }
0xa1: {  	s23 =	simm.s32 $0x1B8B  }
0xa2: {  	_ =	swait.ge [sflag:s23], $0x1  }
0xa3: {  	[sflag:s23] =	ssyncset.done $0x0  }
0xa4: {  	s25 =	simm.s32 $0x1B8E;
	s24 =	sld [smem:$0x3FFE];
	[sflag:s23] =	ssyncadd.s32 $0xFFFFFFFF  }
0xa5: {  	s26 =	simm.s32 $execute0_lowered;
	[smem:$0x3FD2] =	sst s25  }
0xa6: {  	s4 =	sshll.u32 s26, $0x1;
	_ =	strace $0x80000049;
	[dreg:$0x1] =	wrdreg $0xFFFFFFFF  }
0xa7: {  	s28 =	simm.s32 $_size_execute0_lowered;
	s2 =	sadd.s32 s2, s4;
	[dreg:$0x0] =	wrdreg $0x0  }
0xa8: {  	s4 =	sshll.u32 s28, $0x1;
	[dreg:$0x2] =	wrdreg s2  }
0xa9: {  	[dreg:$0x3] =	wrdreg s4  }
0xaa: {  	[dreg:$0x4] =	wrdreg $0xC0  }
0xab: {  	_ =	task [dreg:s6], $0x5FFFF  }
0xac: {  	[dreg:$0x1] =	wrdreg $0xFFFFFFFF  }
0xad: {  	[dreg:$0x0] =	wrdreg $0x60  }
0xae: {  	[dreg:$0x2] =	wrdreg s24  }
0xaf: {  	[dreg:$0x3] =	wrdreg $0xA8000  }
0xb0: {  	[dreg:$0x4] =	wrdreg $0x9  }
0xb1: {  	_ =	task.clear_ibuf [dreg:s6], $0x5FFFF;
	_ =	strace $0x90000049  }
0xb2: {  	s29 =	simm.s32 $0x9;
	_ =	strace $0x8000004B  }
0xb3: {  	_ =	swait.ge [sflag:s29], $0x1  }
0xb4: {  	[sflag:s29] =	ssyncadd.s32 $0xFFFFFFFF  }
0xb5: {  	_ =	strace $0x9000004B  }
0xb6: {  	_ =	sfence  }
0xb7: {  	s30 =	sld [smem:$0x0];
	_ =	sdelay $0x2  }
0xb8: {  	s31 =	sshll.u32 s1, $0xD;
	s1 =	sshrl.u32 s1, $0x2  }
0xb9: {  	s3 =	sand.u32 $0x4000, s31;
	s1 =	sadd.s32 s1, s30  }
0xba: {  	s0 =	sor.u32 s3, s0;
	s1 =	sshll.u32 s1, $0x11  }
0xbb: {  	s0 =	sor.u32 s1, s0  }
0xbc: {  	s0 =	sadd.s32 $0x8F2B, s0  }
0xbd: {  	[sflag:s0] =	ssyncadd.remote.s32 $0x1  }
0xbe: {  	_ =	sfence.sel $0xFFFF  }
0xbf: {  	[dreg:$0x0] =	wrdreg $0xFFFFFFFF;
	(pc) =	sbr.abs _section_cstart, $3  }
0xc0: {  	[dreg:$0x1] =	wrdreg $0xFFFFFFFF  }
0xc1: {  	_ =	task.clear_ibuf [dreg:s6], $0x2FFFF;
	_ =	strace $0x9FFFFFFF  }
0xc2: {  	(tm) =	ssettm $0x7FFFFFFF  }
0xc3: {  	_ =	shalt  }
tec
execute0_lowered:
.L_overlay_start_1:
0x0: {  	(tag) =	ssettag $0x1  }
0x1: {  	s5 =	rddreg [dreg:$0x0]  }
0x2: {  	s1 =	rddreg [dreg:$0x1]  }
0x3: {  	s0 =	rddreg [dreg:$0x2]  }
0x4: {  	s3 =	srdreg.scid;
	s2 =	simm.s32 $0x0;
	s11 =	stileid.u32  }
0x5: {  	s16 =	simm.s32 $0x8000;
	s17 =	simm.s32 $0x1;
	s18 =	simm.s32 $0x0  }
0x6: {  	s6 =	sand.u32 $0x1, s3;
	[smem:$0x7FF] =	sst s2;
	s25 =	sshll.u32 s11, $0xC  }
0x7: {  	s3 =	sadd.s32 $0x37800, s5;
	s10 =	smul.u32 $0x4E000, s11;
	s12 =	sadd.s32 $0x5EA00, s5  }
0x8: {  	s29 =	sshll.u32 s11, $0x6;
	s30 =	smul.u32 $0x13800, s11;
	s15 =	sadd.s32 $0x138000, s1  }
0x9: {  	p0 =	sne.s32 s11, $0x0;
	s4 =	sshll.u32 s6, $0xB;
	_ =	strace $0x8000004A  }
0xa: {  	s8 =	ssub.s32 $0x2, s6;
	s26 =	smul.u32 $0x138800, s6;
	s4 =	sor.u32 s4, s25  }
0xb: {  	s9 =	sshrl.u32 s8, $0x1;
	s28 =	sshrl.u32 s10, $0x2;
	s7 =	sadd.s32 s4, s5  }
0xc: {  	s4 =	sadd.s32 $0x3C00, s5;
	s13 =	ssub.s32 s8, s9;
	s14 =	sadd.s32 s28, s1  }
0xd: {  	s5 =	sor.u32 $0x1C02, s29;
	s9 =	sadd.s32 s30, s26;
	s8 =	sshrl.u32 s26, $0x3  }
0xe: {  	s6 =	sadd.s32 $0x27800, s7;
	s7 =	sadd.s32 $0x17800, s7;
	s9 =	sshrl.u32 s9, $0x3  }
0xf: {  	s31 =	sadd.s32 s12, s8;
	s10 =	smax.u32 s13, $0x1;
	s11 =	sshrl.u32 s14, $0x3  }
0x10: {  	s13 =	sshrl.u32 @!p0 s15, $0x3;
	s14 =	simm.s32 $0x4000;
	s15 =	simm.s32 $0x50  }
0x11: {  	s8 =	sadd.s32 s12, s9;
	s9 =	sadd.s32 $0x27000, s31;
	s12 =	simm.s32 $0x2  }
.LBB2_1:
0x12: {  	[spmem:s11], [sflag:s5] =	dma.local [hbm:s4], $0x2700  }
0x13: {  	_ =	swait.ge [sflag:s12], $0x2700  }
0x14: {  	[sflag:s12] =	ssyncset.done $0x0  }
0x15: {  	s19 =	simm.s32 @!p0 $0x2;
	[sflag:s12] =	ssyncadd.s32 $0xFFFFD900  }
0x16: {  	[spmem:s13], [sflag:s5] =	dma.local @!p0 [hbm:s4], $0x100  }
0x17: {  	_ =	swait.ge @!p0 [sflag:s19], $0x100  }
0x18: {  	[sflag:s19] =	ssyncset.done @!p0 $0x0  }
0x19: {  	[sflag:s19] =	ssyncadd.s32 @!p0 $0xFFFFFF00  }
0x1a: {  	[tilespmem:s2], [sflag:$0x2] =	stream.linear.gather [hbm4b:s6+s2], $0x3E80, $0x38;
	[tilespmem:$0x1E080] =	vst v63  }
0x1b: {  	_ =	swait.ge [sflag:s12], $0x3E80  }
0x1c: {  	[sflag:s12] =	ssyncset.done $0x0  }
0x1d: {  	[sflag:s12] =	ssyncadd.s32 $0xFFFFC180  }
0x1e: {  	[tilespmem:s14], [sflag:$0x2] =	stream.linear.gather [hbm4b:s7+s2], $0x3E80, $0x38;
	[tilespmem:$0x1E080] =	vst v63  }
0x1f: {  	_ =	swait.ge [sflag:s12], $0x3E80  }
0x20: {  	[sflag:s12] =	ssyncset.done $0x0  }
0x21: {  	[sflag:s12] =	ssyncadd.s32 $0xFFFFC180  }
0x22: {  	s30 =	simm.s32 $0x0;
	[bflag:$0x0] =	sbarrier.arrive $0xFFFF  }
0x23: {  	[tilespmem:s16], [sflag:$0x1] =	stream.indirect.gather [hbm4b:s3+s15], $0x80, s30, s15, $0xb8;
	[tilespmem:$0x1E080] =	vst v63  }
0x24: {  	_ =	swait.ge [sflag:s17], $0x2800  }
0x25: {  	[sflag:s17] =	ssyncset.done $0x0  }
0x26: {  	s31 =	simm.s32 $0x4000;
	[sflag:s17] =	ssyncadd.s32 $0xFFFFD800  }
0x27: {  	[spmem:s1] =	stream.indirect.scatter.add.f32 [tilespmem:s16], [sflag:$0x2], $0x80, s31, s15, $0xb8;
	[tilespmem:$0x1E080] =	vst v63  }
0x28: {  	_ =	swait.ge [sflag:s12], $0x2800  }
0x29: {  	s20 =	simm.s32 $0x400;
	s19 =	simm.s32 $0x200;
	[sflag:s12] =	ssyncset.done $0x0  }
.LBB2_2:
0x2a: {  	s21 =	sshra.s32 s19, $0x2  }
0x2b: {  	[sflag:s12] =	ssyncadd.s32 $0xFFFFD800;
	s19 =	smov.u32 s20;
	s22 =	sadd.s32 $0x200, s20  }
0x2c: {  	[tilespmem:s16], [sflag:$0x1] =	stream.indirect.gather [hbm4b:s3+s15], $0x80, s21, s15, $0xb8;
	[tilespmem:$0x1E080] =	vst v63  }
0x2d: {  	p1 =	sne.s32 s20, $0xF800;
	_ =	swait.ge [sflag:s17], $0x2800  }
.Ltmp0:
0x2e: {  	[sflag:s17] =	ssyncset.done $0x0;
	(pc) =	sbr.rel @p1 .LBB2_2-.Ltmp0, $4  }
0x2f: {  	s20 =	sadd.s32 $0x4000, s21;
	[sflag:s17] =	ssyncadd.s32 $0xFFFFD800  }
0x30: {  	[spmem:s1] =	stream.indirect.scatter.add.f32 [tilespmem:s16], [sflag:$0x2], $0x80, s20, s15, $0xb8;
	[tilespmem:$0x1E080] =	vst v63  }
0x31: {  	_ =	swait.ge [sflag:s12], $0x2800  }
0x32: {  	s20 =	smov.u32 s22;
	[sflag:s12] =	ssyncset.done $0x0  }
0x33: {  	s19 =	sshra.s32 s19, $0x2;
	[sflag:s12] =	ssyncadd.s32 $0xFFFFD800  }
0x34: {  	[tilespmem:s16], [sflag:$0x1] =	stream.indirect.gather [hbm4b:s3+s15], $0x80, s19, s15, $0xb8;
	[tilespmem:$0x1E080] =	vst v63  }
0x35: {  	_ =	swait.ge [sflag:s17], $0x2800  }
0x36: {  	[sflag:s17] =	ssyncset.done $0x0  }
0x37: {  	s19 =	sadd.s32 $0x4000, s19;
	[sflag:s17] =	ssyncadd.s32 $0xFFFFD800  }
0x38: {  	[spmem:s1] =	stream.indirect.scatter.add.f32 [tilespmem:s16], [sflag:$0x2], $0x80, s19, s15, $0xb8;
	[tilespmem:$0x1E080] =	vst v63  }
0x39: {  	_ =	swait.ge [sflag:s12], $0x2800  }
0x3a: {  	[sflag:s12] =	ssyncset.done $0x0  }
0x3b: {  	[sflag:s12] =	ssyncadd.s32 $0xFFFFD800  }
0x3c: {  	[bflag:$0x0] =	sbarrier.arrive $0xFFFF  }
0x3d: {  	[hbm:s8], [sflag:s5] =	dma.local [spmem:s11], $0x2700  }
0x3e: {  	s18 =	sadd.s32 $0x1, s18;
	_ =	swait.ge [sflag:s12], $0x2700  }
0x3f: {  	p1 =	sne.s32 s18, s10;
	[sflag:s12] =	ssyncset.done $0x0  }
.Ltmp1:
0x40: {  	s19 =	simm.s32 @!p0 $0x2;
	[sflag:s12] =	ssyncadd.s32 $0xFFFFD900;
	(pc) =	sbr.rel @p1 .LBB2_1-.Ltmp1, $4  }
0x41: {  	[hbm:s9], [sflag:s5] =	dma.local @!p0 [spmem:s13], $0x100  }
0x42: {  	_ =	swait.ge @!p0 [sflag:s19], $0x100  }
0x43: {  	[sflag:s19] =	ssyncset.done @!p0 $0x0  }
0x44: {  	[sflag:s19] =	ssyncadd.s32 @!p0 $0xFFFFFF00  }
0x45: {  	_ =	sfence.sel $0x180000  }
0x46: {  	[bflag:$0x0] =	sbarrier.arrive $0xFFFF  }
0x47: {  	_ =	strace $0x9000004A  }
0x48: {  	s0 =	sadd.s32 @!p0 $0x100000, s0;
	[bflag:$0x2] =	sbarrier.arrive $0xFFFF  }
0x49: {  	[sflag:s0] =	ssyncadd.tile.s32 @!p0 $0x1;
	_ =	shalt  }
.Lfunc_end2:
_tile_overlayer_lowered:
.L_overlay_start_2:
0x4a: {  	(tag) =	ssettag $0x2  }
0x4b: {  	s0 =	rddreg [dreg:$0x0];
	s2 =	stileid.u32  }
0x4c: {  	s1 =	rddreg [dreg:$0x1];
	p0 =	sne.s32 s2, $0x0  }
0x4d: {  	s3 =	rddreg [dreg:$0x2];
	[bflag:$0x3] =	sbarrier.arrive $0xFFFF;
	s2 =	simm.s32 @!p0 $0x1C02  }
0x4e: {  	[timem:s3], [sflag:s2] =	dma.local @!p0 [hbm:s0], s1  }
0x4f: {  	s0 =	simm.s32 @!p0 $0x2  }
0x50: {  	_ =	swait.ge @!p0 [sflag:s0], s1  }
0x51: {  	s1 =	ssub.s32 @!p0 $0x0, s1;
	[sflag:s0] =	ssyncset.done @!p0 $0x0  }
0x52: {  	[sflag:s0] =	ssyncadd.s32 @!p0 s1  }
0x53: {  	[bflag:$0x3] =	sbarrier.arrive $0xFFFF  }
0x54: {  	_ =	shalt  }

// kernel: kernel.17.cloned.1.call-start
scs
__scs_entry_jumppad:
0x0: {  	(pc) =	sbr.rel $0x88, $3  }
0x1: {  	(tag) =	ssettag $0x0;
	lr =	simm.s32 $0x1  }
0x2: {  	[smem:$0x3F94] =	sst lr;
	_ =	strace $0xD0000000  }
0x3: {  	_ = 	snop  }
0x4: {  	_ = 	snop  }
0x5: {  	_ = 	snop  }
0x6: {  	_ = 	snop  }
0x7: {  	_ = 	snop  }
__scs_overlays_trampoline_lowered:
0x8: {  	[smem:$0x3FA3] =	sst s0  }
0x9: {  	[smem:$0x3FA4] =	sst s1  }
0xa: {  	[smem:$0x3FA5] =	sst s2  }
0xb: {  	[smem:$0x3FA6] =	sst s3  }
0xc: {  	[smem:$0x3FA7] =	sst s4  }
0xd: {  	[smem:$0x3FA8] =	sst s5  }
0xe: {  	[smem:$0x3FA9] =	sst s6  }
0xf: {  	[smem:$0x3FAA] =	sst s7  }
0x10: {  	[smem:$0x3FAB] =	sst s8  }
0x11: {  	[smem:$0x3FAC] =	sst s9;
	s0 =	simm.s32 @!p0 $0x0  }
0x12: {  	s1 =	sld [smem:$0x3F92];
	s0 =	simm.s32 @p0 $0x1  }
0x13: {  	[smem:$0x3FAD] =	sst s0;
	s0 =	simm.s32 @!p1 $0x0  }
0x14: {  	s2 =	sld [smem:$0x3F91];
	s0 =	simm.s32 @p1 $0x1  }
0x15: {  	[smem:$0x3FAE] =	sst s0;
	s0 =	simm.s32 @!p2 $0x0  }
0x16: {  	s3 =	sld [smem:$0x3FDB];
	s0 =	simm.s32 @p2 $0x1  }
0x17: {  	s4 =	simm.s32 $0x1BF5;
	[smem:$0x3FB0] =	sst s0  }
0x18: {  	s0 =	sld [smem:$0x3F93];
	_ =	swait.ge [sflag:s4], $0x0  }
0x19: {  	s7 =	sld [smem:$0x3F94]  }
0x1a: {  	s8 =	sadd.s32 $0xFFFFE003, lr  }
0x1b: {  	s9 =	sadd.s32 $0xFFFFFEF7, lr;
	s5 =	simm.s32 $0xFFFFFFFF;
	p2 =	slt.u32 s8, $0xFFFFF086  }
0x1c: {  	p1 =	slt.u32 s9, $0xF7A;
	s5 =	simm.s32 @!p2 $0x0  }
0x1d: {  	s5 =	simm.s32 @p1 $0x1;
	p0 =	seq.s32 s7, s2  }
0x1e: {  	s7 =	smul.u32 @!p0 $0xF7A, s2;
	p2 =	seq.s32 @!p0 s5, $0x0  }
0x1f: {  	s9 =	smul.u32 $0xF7A, s1;
	s8 =	simm.s32 @!p0 $0x1BF5;
	p2 =	por !p2, p0  }
0x20: {  	[sflag:s8] =	ssyncset.s32 @!p0 $0xFFFFF086;
	s6 =	sadd.s32 @!p0 s3, s7;
	s7 =	simm.s32 @!p0 $0x108  }
0x21: {  	s3 =	sadd.s32 s3, s9;
	s6 =	sadd.s32 @!p0 $0x88, s6;
	s7 =	simm.s32 @p2 $0x1082  }
0x22: {  	[simem:s7], [sflag:s8] =	dma.local @!p0 [hbm:s6], $0xF7A  }
0x23: {  	s9 =	sor.u32 $0xD0000000, s2;
	s6 =	simm.s32 $0x108;
	_ =	swait.ge @!p0 [sflag:s8], $0x0  }
0x24: {  	s3 =	sadd.s32 $0x88, s3;
	s6 =	simm.s32 @!p1 $0x1082;
	[sflag:s4] =	ssyncset.s32 $0xFFFFF086  }
0x25: {  	[simem:s6], [sflag:s4] =	dma.local [hbm:s3], $0xF7A  }
0x26: {  	[smem:$0x3F94] =	sst s1;
	(tag) =	ssettag s2;
	_ =	strace s9  }
0x27: {  	s1 =	sld [smem:$0x3FA4]  }
0x28: {  	s2 =	sld [smem:$0x3FA5]  }
0x29: {  	s4 =	sld [smem:$0x3FA7]  }
0x2a: {  	p0 =	seq.s32 s5, $0x0;
	s5 =	sld [smem:$0x3FA8]  }
0x2b: {  	s6 =	sld [smem:$0x3FA9]  }
0x2c: {  	s7 =	sld [smem:$0x3FAA]  }
0x2d: {  	s3 =	simm.s32 $0x108;
	s8 =	sld [smem:$0x3FAB]  }
0x2e: {  	s3 =	simm.s32 @!p0 $0x1082;
	s9 =	sld [smem:$0x3FAC]  }
0x2f: {  	lr =	sadd.s32 s0, s3;
	s0 =	sld [smem:$0x3FA3]  }
0x30: {  	s3 =	sld [smem:$0x3FA6]  }
0x31: {  	[smem:$0x3FAF] =	sst s10  }
0x32: {  	s10 =	sld [smem:$0x3FAD];
	_ =	sdelay $0x3  }
0x33: {  	p0 =	seq.s32 s10, $0x1;
	s10 =	sld [smem:$0x3FAF];
	_ =	sdelay $0x3  }
0x34: {  	[smem:$0x3FAF] =	sst s10  }
0x35: {  	s10 =	sld [smem:$0x3FAE];
	_ =	sdelay $0x3  }
0x36: {  	p1 =	seq.s32 s10, $0x1;
	s10 =	sld [smem:$0x3FAF];
	_ =	sdelay $0x3  }
0x37: {  	[smem:$0x3FAF] =	sst s10  }
0x38: {  	s10 =	sld [smem:$0x3FB0]  }
0x39: {  	_ = 	snop;
	(pc) =	sbr.ind lr, $3  }
0x3a: {  	_ = 	snop  }
0x3b: {  	_ = 	snop  }
0x3c: {  	p2 =	seq.s32 s10, $0x1;
	s10 =	sld [smem:$0x3FAF]  }
0x3d: {  	_ =	shalt  }
0x3e: {  	_ =	shalt  }
0x3f: {  	_ =	shalt  }
0x40: {  	_ =	shalt  }
0x41: {  	_ =	shalt  }
0x42: {  	_ =	shalt  }
0x43: {  	_ =	shalt  }
0x44: {  	_ =	shalt  }
0x45: {  	_ =	shalt  }
0x46: {  	_ =	shalt  }
0x47: {  	_ =	shalt  }
0x48: {  	_ =	shalt  }
0x49: {  	_ =	shalt  }
0x4a: {  	_ =	shalt  }
0x4b: {  	_ =	shalt  }
0x4c: {  	_ =	shalt  }
0x4d: {  	_ =	shalt  }
0x4e: {  	_ =	shalt  }
0x4f: {  	_ =	shalt  }
0x50: {  	_ =	shalt  }
0x51: {  	_ =	shalt  }
0x52: {  	_ =	shalt  }
0x53: {  	_ =	shalt  }
0x54: {  	_ =	shalt  }
0x55: {  	_ =	shalt  }
0x56: {  	_ =	shalt  }
0x57: {  	_ =	shalt  }
0x58: {  	_ =	shalt  }
0x59: {  	_ =	shalt  }
0x5a: {  	_ =	shalt  }
0x5b: {  	_ =	shalt  }
0x5c: {  	_ =	shalt  }
0x5d: {  	_ =	shalt  }
0x5e: {  	_ =	shalt  }
0x5f: {  	_ =	shalt  }
0x60: {  	_ =	shalt  }
0x61: {  	_ =	shalt  }
0x62: {  	_ =	shalt  }
0x63: {  	_ =	shalt  }
0x64: {  	_ =	shalt  }
0x65: {  	_ =	shalt  }
0x66: {  	_ =	shalt  }
0x67: {  	_ =	shalt  }
0x68: {  	_ =	shalt  }
0x69: {  	_ =	shalt  }
0x6a: {  	_ =	shalt  }
0x6b: {  	_ =	shalt  }
0x6c: {  	_ =	shalt  }
0x6d: {  	_ =	shalt  }
0x6e: {  	_ =	shalt  }
0x6f: {  	_ =	shalt  }
0x70: {  	_ =	shalt  }
0x71: {  	_ =	shalt  }
0x72: {  	_ =	shalt  }
0x73: {  	_ =	shalt  }
0x74: {  	_ =	shalt  }
0x75: {  	_ =	shalt  }
0x76: {  	_ =	shalt  }
0x77: {  	_ =	shalt  }
0x78: {  	_ =	shalt  }
0x79: {  	_ =	shalt  }
0x7a: {  	_ =	shalt  }
0x7b: {  	_ =	shalt  }
0x7c: {  	_ =	shalt  }
0x7d: {  	_ =	shalt  }
0x7e: {  	_ =	shalt  }
0x7f: {  	_ =	shalt  }
0x80: {  	_ =	shalt  }
0x81: {  	_ =	shalt  }
0x82: {  	_ =	shalt  }
0x83: {  	_ =	shalt  }
0x84: {  	_ =	shalt  }
0x85: {  	_ =	shalt  }
0x86: {  	_ =	shalt  }
0x87: {  	_ =	shalt  }
.Lfunc_end0:
.L_simem_size_0:
called_computation.2_lowered:
.L_overlay_start_0:
0x88: {  	s2 =	sld [smem:$0x3FD9]  }
0x89: {  	s3 =	sld [smem:$0x3FFE];
	_ =	sdelay $0x1  }
0x8a: {  	s1 =	srdreg.scid  }
0x8b: {  	s0 =	sand.u32 $0x1, s1  }
0x8c: {  	s16 =	sshll.u32 s0, $0xA;
	s2 =	sadd.s32 s3, s2  }
0x8d: {  	s2 =	sadd.s32 s2, s16  }
0x8e: {  	[smem:$0x3FBB] =	sst s2  }
0x8f: {  	_ = 	snop  }
0x90: {  	(tm) =	ssettm $0x1  }
0x91: {  	s17 =	sld [smem:$0x3FFB];
	_ =	sdelay $0x3  }
0x92: {  	_ =	strace s17  }
0x93: {  	s2 =	sld [smem:$0x3FFC];
	_ =	sdelay $0x3  }
0x94: {  	_ =	strace s2  }
0x95: {  	s2 =	sld [smem:$0x3FFD];
	_ =	sdelay $0x3  }
0x96: {  	_ =	strace s2  }
0x97: {  	_ =	strace $0x8FFFFFFF  }
0x98: {  	s18 =	sld [smem:$0x3FDB];
	_ =	sdelay $0x1  }
0x99: {  	s19 =	simm.s32 $_scs_section_size  }
0x9a: {  	s4 =	simm.s32 $_size__tile_overlayer_lowered;
	s5 =	simm.s32 $_tile_overlayer_lowered  }
0x9b: {  	s22 =	simm.s32 $0x1BFF;
	s21 =	sshll.u32 s5, $0x1;
	s2 =	sadd.s32 s19, s18  }
0x9c: {  	s6 =	simm.s32 $0x0;
	s20 =	sshll.u32 s4, $0x1;
	s4 =	sadd.s32 s21, s2  }
0x9d: {  	[timem:s6], [sflag:s22] =	dma.local [hbm:s4], s20  }
0x9e: {  	_ =	swait.ge [sflag:s22], s20  }
0x9f: {  	s3 =	ssub.s32 $0x0, s20;
	[sflag:s22] =	ssyncset.done $0x0  }
0xa0: {  	[sflag:s22] =	ssyncadd.s32 s3;
	_ =	sdelay $0x1  }
0xa1: {  	s23 =	simm.s32 $0x1B8B  }
0xa2: {  	_ =	swait.ge [sflag:s23], $0x1  }
0xa3: {  	[sflag:s23] =	ssyncset.done $0x0  }
0xa4: {  	s25 =	simm.s32 $0x1B8E;
	s24 =	sld [smem:$0x3FFE];
	[sflag:s23] =	ssyncadd.s32 $0xFFFFFFFF  }
0xa5: {  	s26 =	simm.s32 $execute0_lowered;
	[smem:$0x3FD2] =	sst s25  }
0xa6: {  	s4 =	sshll.u32 s26, $0x1;
	_ =	strace $0x8000004C;
	[dreg:$0x1] =	wrdreg $0xFFFFFFFF  }
0xa7: {  	s28 =	simm.s32 $_size_execute0_lowered;
	s2 =	sadd.s32 s2, s4;
	[dreg:$0x0] =	wrdreg $0x0  }
0xa8: {  	s4 =	sshll.u32 s28, $0x1;
	[dreg:$0x2] =	wrdreg s2  }
0xa9: {  	[dreg:$0x3] =	wrdreg s4  }
0xaa: {  	[dreg:$0x4] =	wrdreg $0xC0  }
0xab: {  	_ =	task [dreg:s6], $0x5FFFF  }
0xac: {  	[dreg:$0x1] =	wrdreg $0xFFFFFFFF  }
0xad: {  	[dreg:$0x0] =	wrdreg $0x60  }
0xae: {  	[dreg:$0x2] =	wrdreg s24  }
0xaf: {  	[dreg:$0x3] =	wrdreg $0xA8000  }
0xb0: {  	[dreg:$0x4] =	wrdreg $0x9  }
0xb1: {  	_ =	task.clear_ibuf [dreg:s6], $0x5FFFF;
	_ =	strace $0x9000004C  }
0xb2: {  	s29 =	simm.s32 $0x9;
	_ =	strace $0x8000004E  }
0xb3: {  	_ =	swait.ge [sflag:s29], $0x1  }
0xb4: {  	[sflag:s29] =	ssyncadd.s32 $0xFFFFFFFF  }
0xb5: {  	_ =	strace $0x9000004E  }
0xb6: {  	_ =	sfence  }
0xb7: {  	s30 =	sld [smem:$0x0];
	_ =	sdelay $0x2  }
0xb8: {  	s31 =	sshll.u32 s1, $0xD;
	s1 =	sshrl.u32 s1, $0x2  }
0xb9: {  	s3 =	sand.u32 $0x4000, s31;
	s1 =	sadd.s32 s1, s30  }
0xba: {  	s0 =	sor.u32 s3, s0;
	s1 =	sshll.u32 s1, $0x11  }
0xbb: {  	s0 =	sor.u32 s1, s0  }
0xbc: {  	s0 =	sadd.s32 $0x8F2B, s0  }
0xbd: {  	[sflag:s0] =	ssyncadd.remote.s32 $0x1  }
0xbe: {  	_ =	sfence.sel $0xFFFF  }
0xbf: {  	[dreg:$0x0] =	wrdreg $0xFFFFFFFF;
	(pc) =	sbr.abs _section_cstart, $3  }
0xc0: {  	[dreg:$0x1] =	wrdreg $0xFFFFFFFF  }
0xc1: {  	_ =	task.clear_ibuf [dreg:s6], $0x2FFFF;
	_ =	strace $0x9FFFFFFF  }
0xc2: {  	(tm) =	ssettm $0x7FFFFFFF  }
0xc3: {  	_ =	shalt  }
tec
execute0_lowered:
.L_overlay_start_1:
0x0: {  	(tag) =	ssettag $0x1  }
0x1: {  	s5 =	rddreg [dreg:$0x0]  }
0x2: {  	s1 =	rddreg [dreg:$0x1]  }
0x3: {  	s0 =	rddreg [dreg:$0x2]  }
0x4: {  	s3 =	srdreg.scid;
	s2 =	simm.s32 $0x0;
	s11 =	stileid.u32  }
0x5: {  	s16 =	simm.s32 $0x8000;
	s17 =	simm.s32 $0x1;
	s18 =	simm.s32 $0x0  }
0x6: {  	s6 =	sand.u32 $0x1, s3;
	[smem:$0x7FF] =	sst s2;
	s25 =	sshll.u32 s11, $0xC  }
0x7: {  	s3 =	sadd.s32 $0x37800, s5;
	s10 =	smul.u32 $0x4E000, s11;
	s12 =	sadd.s32 $0x5EA00, s5  }
0x8: {  	s29 =	sshll.u32 s11, $0x6;
	s30 =	smul.u32 $0x13800, s11;
	s15 =	sadd.s32 $0x138000, s1  }
0x9: {  	p0 =	sne.s32 s11, $0x0;
	s4 =	sshll.u32 s6, $0xB;
	_ =	strace $0x8000004D  }
0xa: {  	s8 =	ssub.s32 $0x2, s6;
	s26 =	smul.u32 $0x138800, s6;
	s4 =	sor.u32 s4, s25  }
0xb: {  	s9 =	sshrl.u32 s8, $0x1;
	s28 =	sshrl.u32 s10, $0x2;
	s7 =	sadd.s32 s4, s5  }
0xc: {  	s4 =	sadd.s32 $0x3C00, s5;
	s13 =	ssub.s32 s8, s9;
	s14 =	sadd.s32 s28, s1  }
0xd: {  	s5 =	sor.u32 $0x1C02, s29;
	s9 =	sadd.s32 s30, s26;
	s8 =	sshrl.u32 s26, $0x3  }
0xe: {  	s6 =	sadd.s32 $0x27800, s7;
	s7 =	sadd.s32 $0x17800, s7;
	s9 =	sshrl.u32 s9, $0x3  }
0xf: {  	s31 =	sadd.s32 s12, s8;
	s10 =	smax.u32 s13, $0x1;
	s11 =	sshrl.u32 s14, $0x3  }
0x10: {  	s13 =	sshrl.u32 @!p0 s15, $0x3;
	s14 =	simm.s32 $0x4000;
	s15 =	simm.s32 $0x50  }
0x11: {  	s8 =	sadd.s32 s12, s9;
	s9 =	sadd.s32 $0x27000, s31;
	s12 =	simm.s32 $0x2  }
.LBB2_1:
0x12: {  	[spmem:s11], [sflag:s5] =	dma.local [hbm:s4], $0x2700  }
0x13: {  	_ =	swait.ge [sflag:s12], $0x2700  }
0x14: {  	[sflag:s12] =	ssyncset.done $0x0  }
0x15: {  	s19 =	simm.s32 @!p0 $0x2;
	[sflag:s12] =	ssyncadd.s32 $0xFFFFD900  }
0x16: {  	[spmem:s13], [sflag:s5] =	dma.local @!p0 [hbm:s4], $0x100  }
0x17: {  	_ =	swait.ge @!p0 [sflag:s19], $0x100  }
0x18: {  	[sflag:s19] =	ssyncset.done @!p0 $0x0  }
0x19: {  	[sflag:s19] =	ssyncadd.s32 @!p0 $0xFFFFFF00  }
0x1a: {  	[tilespmem:s2], [sflag:$0x2] =	stream.linear.gather [hbm4b:s6+s2], $0x3E80, $0x38;
	[tilespmem:$0x1E080] =	vst v63  }
0x1b: {  	_ =	swait.ge [sflag:s12], $0x3E80  }
0x1c: {  	[sflag:s12] =	ssyncset.done $0x0  }
0x1d: {  	[sflag:s12] =	ssyncadd.s32 $0xFFFFC180  }
0x1e: {  	[tilespmem:s14], [sflag:$0x2] =	stream.linear.gather [hbm4b:s7+s2], $0x3E80, $0x38;
	[tilespmem:$0x1E080] =	vst v63  }
0x1f: {  	_ =	swait.ge [sflag:s12], $0x3E80  }
0x20: {  	[sflag:s12] =	ssyncset.done $0x0  }
0x21: {  	[sflag:s12] =	ssyncadd.s32 $0xFFFFC180  }
0x22: {  	s30 =	simm.s32 $0x0;
	[bflag:$0x0] =	sbarrier.arrive $0xFFFF  }
0x23: {  	[tilespmem:s16], [sflag:$0x1] =	stream.indirect.gather [hbm4b:s3+s15], $0x80, s30, s15, $0xb8;
	[tilespmem:$0x1E080] =	vst v63  }
0x24: {  	_ =	swait.ge [sflag:s17], $0x2800  }
0x25: {  	[sflag:s17] =	ssyncset.done $0x0  }
0x26: {  	s31 =	simm.s32 $0x4000;
	[sflag:s17] =	ssyncadd.s32 $0xFFFFD800  }
0x27: {  	[spmem:s1] =	stream.indirect.scatter.add.f32 [tilespmem:s16], [sflag:$0x2], $0x80, s31, s15, $0xb8;
	[tilespmem:$0x1E080] =	vst v63  }
0x28: {  	_ =	swait.ge [sflag:s12], $0x2800  }
0x29: {  	s20 =	simm.s32 $0x400;
	s19 =	simm.s32 $0x200;
	[sflag:s12] =	ssyncset.done $0x0  }
.LBB2_2:
0x2a: {  	s21 =	sshra.s32 s19, $0x2  }
0x2b: {  	[sflag:s12] =	ssyncadd.s32 $0xFFFFD800;
	s19 =	smov.u32 s20;
	s22 =	sadd.s32 $0x200, s20  }
0x2c: {  	[tilespmem:s16], [sflag:$0x1] =	stream.indirect.gather [hbm4b:s3+s15], $0x80, s21, s15, $0xb8;
	[tilespmem:$0x1E080] =	vst v63  }
0x2d: {  	p1 =	sne.s32 s20, $0xF800;
	_ =	swait.ge [sflag:s17], $0x2800  }
.Ltmp0:
0x2e: {  	[sflag:s17] =	ssyncset.done $0x0;
	(pc) =	sbr.rel @p1 .LBB2_2-.Ltmp0, $4  }
0x2f: {  	s20 =	sadd.s32 $0x4000, s21;
	[sflag:s17] =	ssyncadd.s32 $0xFFFFD800  }
0x30: {  	[spmem:s1] =	stream.indirect.scatter.add.f32 [tilespmem:s16], [sflag:$0x2], $0x80, s20, s15, $0xb8;
	[tilespmem:$0x1E080] =	vst v63  }
0x31: {  	_ =	swait.ge [sflag:s12], $0x2800  }
0x32: {  	s20 =	smov.u32 s22;
	[sflag:s12] =	ssyncset.done $0x0  }
0x33: {  	s19 =	sshra.s32 s19, $0x2;
	[sflag:s12] =	ssyncadd.s32 $0xFFFFD800  }
0x34: {  	[tilespmem:s16], [sflag:$0x1] =	stream.indirect.gather [hbm4b:s3+s15], $0x80, s19, s15, $0xb8;
	[tilespmem:$0x1E080] =	vst v63  }
0x35: {  	_ =	swait.ge [sflag:s17], $0x2800  }
0x36: {  	[sflag:s17] =	ssyncset.done $0x0  }
0x37: {  	s19 =	sadd.s32 $0x4000, s19;
	[sflag:s17] =	ssyncadd.s32 $0xFFFFD800  }
0x38: {  	[spmem:s1] =	stream.indirect.scatter.add.f32 [tilespmem:s16], [sflag:$0x2], $0x80, s19, s15, $0xb8;
	[tilespmem:$0x1E080] =	vst v63  }
0x39: {  	_ =	swait.ge [sflag:s12], $0x2800  }
0x3a: {  	[sflag:s12] =	ssyncset.done $0x0  }
0x3b: {  	[sflag:s12] =	ssyncadd.s32 $0xFFFFD800  }
0x3c: {  	[bflag:$0x0] =	sbarrier.arrive $0xFFFF  }
0x3d: {  	[hbm:s8], [sflag:s5] =	dma.local [spmem:s11], $0x2700  }
0x3e: {  	s18 =	sadd.s32 $0x1, s18;
	_ =	swait.ge [sflag:s12], $0x2700  }
0x3f: {  	p1 =	sne.s32 s18, s10;
	[sflag:s12] =	ssyncset.done $0x0  }
.Ltmp1:
0x40: {  	s19 =	simm.s32 @!p0 $0x2;
	[sflag:s12] =	ssyncadd.s32 $0xFFFFD900;
	(pc) =	sbr.rel @p1 .LBB2_1-.Ltmp1, $4  }
0x41: {  	[hbm:s9], [sflag:s5] =	dma.local @!p0 [spmem:s13], $0x100  }
0x42: {  	_ =	swait.ge @!p0 [sflag:s19], $0x100  }
0x43: {  	[sflag:s19] =	ssyncset.done @!p0 $0x0  }
0x44: {  	[sflag:s19] =	ssyncadd.s32 @!p0 $0xFFFFFF00  }
0x45: {  	_ =	sfence.sel $0x180000  }
0x46: {  	[bflag:$0x0] =	sbarrier.arrive $0xFFFF  }
0x47: {  	_ =	strace $0x9000004D  }
0x48: {  	s0 =	sadd.s32 @!p0 $0x100000, s0;
	[bflag:$0x2] =	sbarrier.arrive $0xFFFF  }
0x49: {  	[sflag:s0] =	ssyncadd.tile.s32 @!p0 $0x1;
	_ =	shalt  }
.Lfunc_end2:
_tile_overlayer_lowered:
.L_overlay_start_2:
0x4a: {  	(tag) =	ssettag $0x2  }
0x4b: {  	s0 =	rddreg [dreg:$0x0];
	s2 =	stileid.u32  }
0x4c: {  	s1 =	rddreg [dreg:$0x1];
	p0 =	sne.s32 s2, $0x0  }
0x4d: {  	s3 =	rddreg [dreg:$0x2];
	[bflag:$0x3] =	sbarrier.arrive $0xFFFF;
	s2 =	simm.s32 @!p0 $0x1C02  }
0x4e: {  	[timem:s3], [sflag:s2] =	dma.local @!p0 [hbm:s0], s1  }
0x4f: {  	s0 =	simm.s32 @!p0 $0x2  }
0x50: {  	_ =	swait.ge @!p0 [sflag:s0], s1  }
0x51: {  	s1 =	ssub.s32 @!p0 $0x0, s1;
	[sflag:s0] =	ssyncset.done @!p0 $0x0  }
0x52: {  	[sflag:s0] =	ssyncadd.s32 @!p0 s1  }
0x53: {  	[bflag:$0x3] =	sbarrier.arrive $0xFFFF  }
0x54: {  	_ =	shalt  }

// kernel: kernel.20.cloned.1.call-start
scs
__scs_entry_jumppad:
0x0: {  	(pc) =	sbr.rel $0x88, $3  }
0x1: {  	(tag) =	ssettag $0x0;
	lr =	simm.s32 $0x1  }
0x2: {  	[smem:$0x3F94] =	sst lr;
	_ =	strace $0xD0000000  }
0x3: {  	_ = 	snop  }
0x4: {  	_ = 	snop  }
0x5: {  	_ = 	snop  }
0x6: {  	_ = 	snop  }
0x7: {  	_ = 	snop  }
__scs_overlays_trampoline_lowered:
0x8: {  	[smem:$0x3FA3] =	sst s0  }
0x9: {  	[smem:$0x3FA4] =	sst s1  }
0xa: {  	[smem:$0x3FA5] =	sst s2  }
0xb: {  	[smem:$0x3FA6] =	sst s3  }
0xc: {  	[smem:$0x3FA7] =	sst s4  }
0xd: {  	[smem:$0x3FA8] =	sst s5  }
0xe: {  	[smem:$0x3FA9] =	sst s6  }
0xf: {  	[smem:$0x3FAA] =	sst s7  }
0x10: {  	[smem:$0x3FAB] =	sst s8  }
0x11: {  	[smem:$0x3FAC] =	sst s9;
	s0 =	simm.s32 @!p0 $0x0  }
0x12: {  	s1 =	sld [smem:$0x3F92];
	s0 =	simm.s32 @p0 $0x1  }
0x13: {  	[smem:$0x3FAD] =	sst s0;
	s0 =	simm.s32 @!p1 $0x0  }
0x14: {  	s2 =	sld [smem:$0x3F91];
	s0 =	simm.s32 @p1 $0x1  }
0x15: {  	[smem:$0x3FAE] =	sst s0;
	s0 =	simm.s32 @!p2 $0x0  }
0x16: {  	s3 =	sld [smem:$0x3FDB];
	s0 =	simm.s32 @p2 $0x1  }
0x17: {  	s4 =	simm.s32 $0x1BF5;
	[smem:$0x3FB0] =	sst s0  }
0x18: {  	s0 =	sld [smem:$0x3F93];
	_ =	swait.ge [sflag:s4], $0x0  }
0x19: {  	s7 =	sld [smem:$0x3F94]  }
0x1a: {  	s8 =	sadd.s32 $0xFFFFE003, lr  }
0x1b: {  	s9 =	sadd.s32 $0xFFFFFEF7, lr;
	s5 =	simm.s32 $0xFFFFFFFF;
	p2 =	slt.u32 s8, $0xFFFFF086  }
0x1c: {  	p1 =	slt.u32 s9, $0xF7A;
	s5 =	simm.s32 @!p2 $0x0  }
0x1d: {  	s5 =	simm.s32 @p1 $0x1;
	p0 =	seq.s32 s7, s2  }
0x1e: {  	s7 =	smul.u32 @!p0 $0xF7A, s2;
	p2 =	seq.s32 @!p0 s5, $0x0  }
0x1f: {  	s9 =	smul.u32 $0xF7A, s1;
	s8 =	simm.s32 @!p0 $0x1BF5;
	p2 =	por !p2, p0  }
0x20: {  	[sflag:s8] =	ssyncset.s32 @!p0 $0xFFFFF086;
	s6 =	sadd.s32 @!p0 s3, s7;
	s7 =	simm.s32 @!p0 $0x108  }
0x21: {  	s3 =	sadd.s32 s3, s9;
	s6 =	sadd.s32 @!p0 $0x88, s6;
	s7 =	simm.s32 @p2 $0x1082  }
0x22: {  	[simem:s7], [sflag:s8] =	dma.local @!p0 [hbm:s6], $0xF7A  }
0x23: {  	s9 =	sor.u32 $0xD0000000, s2;
	s6 =	simm.s32 $0x108;
	_ =	swait.ge @!p0 [sflag:s8], $0x0  }
0x24: {  	s3 =	sadd.s32 $0x88, s3;
	s6 =	simm.s32 @!p1 $0x1082;
	[sflag:s4] =	ssyncset.s32 $0xFFFFF086  }
0x25: {  	[simem:s6], [sflag:s4] =	dma.local [hbm:s3], $0xF7A  }
0x26: {  	[smem:$0x3F94] =	sst s1;
	(tag) =	ssettag s2;
	_ =	strace s9  }
0x27: {  	s1 =	sld [smem:$0x3FA4]  }
0x28: {  	s2 =	sld [smem:$0x3FA5]  }
0x29: {  	s4 =	sld [smem:$0x3FA7]  }
0x2a: {  	p0 =	seq.s32 s5, $0x0;
	s5 =	sld [smem:$0x3FA8]  }
0x2b: {  	s6 =	sld [smem:$0x3FA9]  }
0x2c: {  	s7 =	sld [smem:$0x3FAA]  }
0x2d: {  	s3 =	simm.s32 $0x108;
	s8 =	sld [smem:$0x3FAB]  }
0x2e: {  	s3 =	simm.s32 @!p0 $0x1082;
	s9 =	sld [smem:$0x3FAC]  }
0x2f: {  	lr =	sadd.s32 s0, s3;
	s0 =	sld [smem:$0x3FA3]  }
0x30: {  	s3 =	sld [smem:$0x3FA6]  }
0x31: {  	[smem:$0x3FAF] =	sst s10  }
0x32: {  	s10 =	sld [smem:$0x3FAD];
	_ =	sdelay $0x3  }
0x33: {  	p0 =	seq.s32 s10, $0x1;
	s10 =	sld [smem:$0x3FAF];
	_ =	sdelay $0x3  }
0x34: {  	[smem:$0x3FAF] =	sst s10  }
0x35: {  	s10 =	sld [smem:$0x3FAE];
	_ =	sdelay $0x3  }
0x36: {  	p1 =	seq.s32 s10, $0x1;
	s10 =	sld [smem:$0x3FAF];
	_ =	sdelay $0x3  }
0x37: {  	[smem:$0x3FAF] =	sst s10  }
0x38: {  	s10 =	sld [smem:$0x3FB0]  }
0x39: {  	_ = 	snop;
	(pc) =	sbr.ind lr, $3  }
0x3a: {  	_ = 	snop  }
0x3b: {  	_ = 	snop  }
0x3c: {  	p2 =	seq.s32 s10, $0x1;
	s10 =	sld [smem:$0x3FAF]  }
0x3d: {  	_ =	shalt  }
0x3e: {  	_ =	shalt  }
0x3f: {  	_ =	shalt  }
0x40: {  	_ =	shalt  }
0x41: {  	_ =	shalt  }
0x42: {  	_ =	shalt  }
0x43: {  	_ =	shalt  }
0x44: {  	_ =	shalt  }
0x45: {  	_ =	shalt  }
0x46: {  	_ =	shalt  }
0x47: {  	_ =	shalt  }
0x48: {  	_ =	shalt  }
0x49: {  	_ =	shalt  }
0x4a: {  	_ =	shalt  }
0x4b: {  	_ =	shalt  }
0x4c: {  	_ =	shalt  }
0x4d: {  	_ =	shalt  }
0x4e: {  	_ =	shalt  }
0x4f: {  	_ =	shalt  }
0x50: {  	_ =	shalt  }
0x51: {  	_ =	shalt  }
0x52: {  	_ =	shalt  }
0x53: {  	_ =	shalt  }
0x54: {  	_ =	shalt  }
0x55: {  	_ =	shalt  }
0x56: {  	_ =	shalt  }
0x57: {  	_ =	shalt  }
0x58: {  	_ =	shalt  }
0x59: {  	_ =	shalt  }
0x5a: {  	_ =	shalt  }
0x5b: {  	_ =	shalt  }
0x5c: {  	_ =	shalt  }
0x5d: {  	_ =	shalt  }
0x5e: {  	_ =	shalt  }
0x5f: {  	_ =	shalt  }
0x60: {  	_ =	shalt  }
0x61: {  	_ =	shalt  }
0x62: {  	_ =	shalt  }
0x63: {  	_ =	shalt  }
0x64: {  	_ =	shalt  }
0x65: {  	_ =	shalt  }
0x66: {  	_ =	shalt  }
0x67: {  	_ =	shalt  }
0x68: {  	_ =	shalt  }
0x69: {  	_ =	shalt  }
0x6a: {  	_ =	shalt  }
0x6b: {  	_ =	shalt  }
0x6c: {  	_ =	shalt  }
0x6d: {  	_ =	shalt  }
0x6e: {  	_ =	shalt  }
0x6f: {  	_ =	shalt  }
0x70: {  	_ =	shalt  }
0x71: {  	_ =	shalt  }
0x72: {  	_ =	shalt  }
0x73: {  	_ =	shalt  }
0x74: {  	_ =	shalt  }
0x75: {  	_ =	shalt  }
0x76: {  	_ =	shalt  }
0x77: {  	_ =	shalt  }
0x78: {  	_ =	shalt  }
0x79: {  	_ =	shalt  }
0x7a: {  	_ =	shalt  }
0x7b: {  	_ =	shalt  }
0x7c: {  	_ =	shalt  }
0x7d: {  	_ =	shalt  }
0x7e: {  	_ =	shalt  }
0x7f: {  	_ =	shalt  }
0x80: {  	_ =	shalt  }
0x81: {  	_ =	shalt  }
0x82: {  	_ =	shalt  }
0x83: {  	_ =	shalt  }
0x84: {  	_ =	shalt  }
0x85: {  	_ =	shalt  }
0x86: {  	_ =	shalt  }
0x87: {  	_ =	shalt  }
.Lfunc_end0:
.L_simem_size_0:
called_computation.3_lowered:
.L_overlay_start_0:
0x88: {  	s2 =	sld [smem:$0x3FD9]  }
0x89: {  	s3 =	sld [smem:$0x3FFE];
	_ =	sdelay $0x1  }
0x8a: {  	s1 =	srdreg.scid  }
0x8b: {  	s0 =	sand.u32 $0x1, s1  }
0x8c: {  	s16 =	sshll.u32 s0, $0xA;
	s2 =	sadd.s32 s3, s2  }
0x8d: {  	s2 =	sadd.s32 s2, s16  }
0x8e: {  	[smem:$0x3FBB] =	sst s2  }
0x8f: {  	_ = 	snop  }
0x90: {  	(tm) =	ssettm $0x1  }
0x91: {  	s17 =	sld [smem:$0x3FFB];
	_ =	sdelay $0x3  }
0x92: {  	_ =	strace s17  }
0x93: {  	s2 =	sld [smem:$0x3FFC];
	_ =	sdelay $0x3  }
0x94: {  	_ =	strace s2  }
0x95: {  	s2 =	sld [smem:$0x3FFD];
	_ =	sdelay $0x3  }
0x96: {  	_ =	strace s2  }
0x97: {  	_ =	strace $0x8FFFFFFF  }
0x98: {  	s18 =	sld [smem:$0x3FDB];
	_ =	sdelay $0x1  }
0x99: {  	s19 =	simm.s32 $_scs_section_size  }
0x9a: {  	s4 =	simm.s32 $_size__tile_overlayer_lowered;
	s5 =	simm.s32 $_tile_overlayer_lowered  }
0x9b: {  	s22 =	simm.s32 $0x1BFF;
	s21 =	sshll.u32 s5, $0x1;
	s2 =	sadd.s32 s19, s18  }
0x9c: {  	s6 =	simm.s32 $0x0;
	s20 =	sshll.u32 s4, $0x1;
	s4 =	sadd.s32 s21, s2  }
0x9d: {  	[timem:s6], [sflag:s22] =	dma.local [hbm:s4], s20  }
0x9e: {  	_ =	swait.ge [sflag:s22], s20  }
0x9f: {  	s3 =	ssub.s32 $0x0, s20;
	[sflag:s22] =	ssyncset.done $0x0  }
0xa0: {  	[sflag:s22] =	ssyncadd.s32 s3;
	_ =	sdelay $0x1  }
0xa1: {  	s23 =	simm.s32 $0x1B8B  }
0xa2: {  	_ =	swait.ge [sflag:s23], $0x1  }
0xa3: {  	[sflag:s23] =	ssyncset.done $0x0  }
0xa4: {  	s25 =	simm.s32 $0x1B8E;
	s24 =	sld [smem:$0x3FFE];
	[sflag:s23] =	ssyncadd.s32 $0xFFFFFFFF  }
0xa5: {  	s26 =	simm.s32 $execute0_lowered;
	[smem:$0x3FD2] =	sst s25  }
0xa6: {  	s4 =	sshll.u32 s26, $0x1;
	_ =	strace $0x8000004F;
	[dreg:$0x1] =	wrdreg $0xFFFFFFFF  }
0xa7: {  	s28 =	simm.s32 $_size_execute0_lowered;
	s2 =	sadd.s32 s2, s4;
	[dreg:$0x0] =	wrdreg $0x0  }
0xa8: {  	s4 =	sshll.u32 s28, $0x1;
	[dreg:$0x2] =	wrdreg s2  }
0xa9: {  	[dreg:$0x3] =	wrdreg s4  }
0xaa: {  	[dreg:$0x4] =	wrdreg $0xC0  }
0xab: {  	_ =	task [dreg:s6], $0x5FFFF  }
0xac: {  	[dreg:$0x1] =	wrdreg $0xFFFFFFFF  }
0xad: {  	[dreg:$0x0] =	wrdreg $0x60  }
0xae: {  	[dreg:$0x2] =	wrdreg s24  }
0xaf: {  	[dreg:$0x3] =	wrdreg $0xA8000  }
0xb0: {  	[dreg:$0x4] =	wrdreg $0x9  }
0xb1: {  	_ =	task.clear_ibuf [dreg:s6], $0x5FFFF;
	_ =	strace $0x9000004F  }
0xb2: {  	s29 =	simm.s32 $0x9;
	_ =	strace $0x80000051  }
0xb3: {  	_ =	swait.ge [sflag:s29], $0x1  }
0xb4: {  	[sflag:s29] =	ssyncadd.s32 $0xFFFFFFFF  }
0xb5: {  	_ =	strace $0x90000051  }
0xb6: {  	_ =	sfence  }
0xb7: {  	s30 =	sld [smem:$0x0];
	_ =	sdelay $0x2  }
0xb8: {  	s31 =	sshll.u32 s1, $0xD;
	s1 =	sshrl.u32 s1, $0x2  }
0xb9: {  	s3 =	sand.u32 $0x4000, s31;
	s1 =	sadd.s32 s1, s30  }
0xba: {  	s0 =	sor.u32 s3, s0;
	s1 =	sshll.u32 s1, $0x11  }
0xbb: {  	s0 =	sor.u32 s1, s0  }
0xbc: {  	s0 =	sadd.s32 $0x8F2B, s0  }
0xbd: {  	[sflag:s0] =	ssyncadd.remote.s32 $0x1  }
0xbe: {  	_ =	sfence.sel $0xFFFF  }
0xbf: {  	[dreg:$0x0] =	wrdreg $0xFFFFFFFF;
	(pc) =	sbr.abs _section_cstart, $3  }
0xc0: {  	[dreg:$0x1] =	wrdreg $0xFFFFFFFF  }
0xc1: {  	_ =	task.clear_ibuf [dreg:s6], $0x2FFFF;
	_ =	strace $0x9FFFFFFF  }
0xc2: {  	(tm) =	ssettm $0x7FFFFFFF  }
0xc3: {  	_ =	shalt  }
tec
execute0_lowered:
.L_overlay_start_1:
0x0: {  	(tag) =	ssettag $0x1  }
0x1: {  	s5 =	rddreg [dreg:$0x0]  }
0x2: {  	s1 =	rddreg [dreg:$0x1]  }
0x3: {  	s0 =	rddreg [dreg:$0x2]  }
0x4: {  	s3 =	srdreg.scid;
	s2 =	simm.s32 $0x0;
	s11 =	stileid.u32  }
0x5: {  	s16 =	simm.s32 $0x8000;
	s17 =	simm.s32 $0x1;
	s18 =	simm.s32 $0x0  }
0x6: {  	s6 =	sand.u32 $0x1, s3;
	[smem:$0x7FF] =	sst s2;
	s25 =	sshll.u32 s11, $0xC  }
0x7: {  	s3 =	sadd.s32 $0x37800, s5;
	s10 =	smul.u32 $0x4E000, s11;
	s12 =	sadd.s32 $0x5EA00, s5  }
0x8: {  	s29 =	sshll.u32 s11, $0x6;
	s30 =	smul.u32 $0x13800, s11;
	s15 =	sadd.s32 $0x138000, s1  }
0x9: {  	p0 =	sne.s32 s11, $0x0;
	s4 =	sshll.u32 s6, $0xB;
	_ =	strace $0x80000050  }
0xa: {  	s8 =	ssub.s32 $0x2, s6;
	s26 =	smul.u32 $0x138800, s6;
	s4 =	sor.u32 s4, s25  }
0xb: {  	s9 =	sshrl.u32 s8, $0x1;
	s28 =	sshrl.u32 s10, $0x2;
	s7 =	sadd.s32 s4, s5  }
0xc: {  	s4 =	sadd.s32 $0x3C00, s5;
	s13 =	ssub.s32 s8, s9;
	s14 =	sadd.s32 s28, s1  }
0xd: {  	s5 =	sor.u32 $0x1C02, s29;
	s9 =	sadd.s32 s30, s26;
	s8 =	sshrl.u32 s26, $0x3  }
0xe: {  	s6 =	sadd.s32 $0x27800, s7;
	s7 =	sadd.s32 $0x17800, s7;
	s9 =	sshrl.u32 s9, $0x3  }
0xf: {  	s31 =	sadd.s32 s12, s8;
	s10 =	smax.u32 s13, $0x1;
	s11 =	sshrl.u32 s14, $0x3  }
0x10: {  	s13 =	sshrl.u32 @!p0 s15, $0x3;
	s14 =	simm.s32 $0x4000;
	s15 =	simm.s32 $0x50  }
0x11: {  	s8 =	sadd.s32 s12, s9;
	s9 =	sadd.s32 $0x27000, s31;
	s12 =	simm.s32 $0x2  }
.LBB2_1:
0x12: {  	[spmem:s11], [sflag:s5] =	dma.local [hbm:s4], $0x2700  }
0x13: {  	_ =	swait.ge [sflag:s12], $0x2700  }
0x14: {  	[sflag:s12] =	ssyncset.done $0x0  }
0x15: {  	s19 =	simm.s32 @!p0 $0x2;
	[sflag:s12] =	ssyncadd.s32 $0xFFFFD900  }
0x16: {  	[spmem:s13], [sflag:s5] =	dma.local @!p0 [hbm:s4], $0x100  }
0x17: {  	_ =	swait.ge @!p0 [sflag:s19], $0x100  }
0x18: {  	[sflag:s19] =	ssyncset.done @!p0 $0x0  }
0x19: {  	[sflag:s19] =	ssyncadd.s32 @!p0 $0xFFFFFF00  }
0x1a: {  	[tilespmem:s2], [sflag:$0x2] =	stream.linear.gather [hbm4b:s6+s2], $0x3E80, $0x38;
	[tilespmem:$0x1E080] =	vst v63  }
0x1b: {  	_ =	swait.ge [sflag:s12], $0x3E80  }
0x1c: {  	[sflag:s12] =	ssyncset.done $0x0  }
0x1d: {  	[sflag:s12] =	ssyncadd.s32 $0xFFFFC180  }
0x1e: {  	[tilespmem:s14], [sflag:$0x2] =	stream.linear.gather [hbm4b:s7+s2], $0x3E80, $0x38;
	[tilespmem:$0x1E080] =	vst v63  }
0x1f: {  	_ =	swait.ge [sflag:s12], $0x3E80  }
0x20: {  	[sflag:s12] =	ssyncset.done $0x0  }
0x21: {  	[sflag:s12] =	ssyncadd.s32 $0xFFFFC180  }
0x22: {  	s30 =	simm.s32 $0x0;
	[bflag:$0x0] =	sbarrier.arrive $0xFFFF  }
0x23: {  	[tilespmem:s16], [sflag:$0x1] =	stream.indirect.gather [hbm4b:s3+s15], $0x80, s30, s15, $0xb8;
	[tilespmem:$0x1E080] =	vst v63  }
0x24: {  	_ =	swait.ge [sflag:s17], $0x2800  }
0x25: {  	[sflag:s17] =	ssyncset.done $0x0  }
0x26: {  	s31 =	simm.s32 $0x4000;
	[sflag:s17] =	ssyncadd.s32 $0xFFFFD800  }
0x27: {  	[spmem:s1] =	stream.indirect.scatter.add.f32 [tilespmem:s16], [sflag:$0x2], $0x80, s31, s15, $0xb8;
	[tilespmem:$0x1E080] =	vst v63  }
0x28: {  	_ =	swait.ge [sflag:s12], $0x2800  }
0x29: {  	s20 =	simm.s32 $0x400;
	s19 =	simm.s32 $0x200;
	[sflag:s12] =	ssyncset.done $0x0  }
.LBB2_2:
0x2a: {  	s21 =	sshra.s32 s19, $0x2  }
0x2b: {  	[sflag:s12] =	ssyncadd.s32 $0xFFFFD800;
	s19 =	smov.u32 s20;
	s22 =	sadd.s32 $0x200, s20  }
0x2c: {  	[tilespmem:s16], [sflag:$0x1] =	stream.indirect.gather [hbm4b:s3+s15], $0x80, s21, s15, $0xb8;
	[tilespmem:$0x1E080] =	vst v63  }
0x2d: {  	p1 =	sne.s32 s20, $0xF800;
	_ =	swait.ge [sflag:s17], $0x2800  }
.Ltmp0:
0x2e: {  	[sflag:s17] =	ssyncset.done $0x0;
	(pc) =	sbr.rel @p1 .LBB2_2-.Ltmp0, $4  }
0x2f: {  	s20 =	sadd.s32 $0x4000, s21;
	[sflag:s17] =	ssyncadd.s32 $0xFFFFD800  }
0x30: {  	[spmem:s1] =	stream.indirect.scatter.add.f32 [tilespmem:s16], [sflag:$0x2], $0x80, s20, s15, $0xb8;
	[tilespmem:$0x1E080] =	vst v63  }
0x31: {  	_ =	swait.ge [sflag:s12], $0x2800  }
0x32: {  	s20 =	smov.u32 s22;
	[sflag:s12] =	ssyncset.done $0x0  }
0x33: {  	s19 =	sshra.s32 s19, $0x2;
	[sflag:s12] =	ssyncadd.s32 $0xFFFFD800  }
0x34: {  	[tilespmem:s16], [sflag:$0x1] =	stream.indirect.gather [hbm4b:s3+s15], $0x80, s19, s15, $0xb8;
	[tilespmem:$0x1E080] =	vst v63  }
0x35: {  	_ =	swait.ge [sflag:s17], $0x2800  }
0x36: {  	[sflag:s17] =	ssyncset.done $0x0  }
0x37: {  	s19 =	sadd.s32 $0x4000, s19;
	[sflag:s17] =	ssyncadd.s32 $0xFFFFD800  }
0x38: {  	[spmem:s1] =	stream.indirect.scatter.add.f32 [tilespmem:s16], [sflag:$0x2], $0x80, s19, s15, $0xb8;
	[tilespmem:$0x1E080] =	vst v63  }
0x39: {  	_ =	swait.ge [sflag:s12], $0x2800  }
0x3a: {  	[sflag:s12] =	ssyncset.done $0x0  }
0x3b: {  	[sflag:s12] =	ssyncadd.s32 $0xFFFFD800  }
0x3c: {  	[bflag:$0x0] =	sbarrier.arrive $0xFFFF  }
0x3d: {  	[hbm:s8], [sflag:s5] =	dma.local [spmem:s11], $0x2700  }
0x3e: {  	s18 =	sadd.s32 $0x1, s18;
	_ =	swait.ge [sflag:s12], $0x2700  }
0x3f: {  	p1 =	sne.s32 s18, s10;
	[sflag:s12] =	ssyncset.done $0x0  }
.Ltmp1:
0x40: {  	s19 =	simm.s32 @!p0 $0x2;
	[sflag:s12] =	ssyncadd.s32 $0xFFFFD900;
	(pc) =	sbr.rel @p1 .LBB2_1-.Ltmp1, $4  }
0x41: {  	[hbm:s9], [sflag:s5] =	dma.local @!p0 [spmem:s13], $0x100  }
0x42: {  	_ =	swait.ge @!p0 [sflag:s19], $0x100  }
0x43: {  	[sflag:s19] =	ssyncset.done @!p0 $0x0  }
0x44: {  	[sflag:s19] =	ssyncadd.s32 @!p0 $0xFFFFFF00  }
0x45: {  	_ =	sfence.sel $0x180000  }
0x46: {  	[bflag:$0x0] =	sbarrier.arrive $0xFFFF  }
0x47: {  	_ =	strace $0x90000050  }
0x48: {  	s0 =	sadd.s32 @!p0 $0x100000, s0;
	[bflag:$0x2] =	sbarrier.arrive $0xFFFF  }
0x49: {  	[sflag:s0] =	ssyncadd.tile.s32 @!p0 $0x1;
	_ =	shalt  }
.Lfunc_end2:
_tile_overlayer_lowered:
.L_overlay_start_2:
0x4a: {  	(tag) =	ssettag $0x2  }
0x4b: {  	s0 =	rddreg [dreg:$0x0];
	s2 =	stileid.u32  }
0x4c: {  	s1 =	rddreg [dreg:$0x1];
	p0 =	sne.s32 s2, $0x0  }
0x4d: {  	s3 =	rddreg [dreg:$0x2];
	[bflag:$0x3] =	sbarrier.arrive $0xFFFF;
	s2 =	simm.s32 @!p0 $0x1C02  }
0x4e: {  	[timem:s3], [sflag:s2] =	dma.local @!p0 [hbm:s0], s1  }
0x4f: {  	s0 =	simm.s32 @!p0 $0x2  }
0x50: {  	_ =	swait.ge @!p0 [sflag:s0], s1  }
0x51: {  	s1 =	ssub.s32 @!p0 $0x0, s1;
	[sflag:s0] =	ssyncset.done @!p0 $0x0  }
0x52: {  	[sflag:s0] =	ssyncadd.s32 @!p0 s1  }
0x53: {  	[bflag:$0x3] =	sbarrier.arrive $0xFFFF  }
0x54: {  	_ =	shalt  }

</sc_bundles>
